<compile_context>
chip_gen: v7x
topology: tpu7x:2x2x1
jax: 0.10.2.dev20260603
libtpu: 0.0.44.dev20260713+nightly
codegen_flags: <defaults>
</compile_context>

<pallas_src>
import functools
import jax
import jax.numpy as jnp
from jax import lax
from jax.experimental import pallas as pl
from jax.experimental.pallas import tpu as pltpu
from jax.experimental.pallas import tpu_sc as plsc

_D = 768
_KW = 80
_NEUT_W = 1.0
_ASSAS_W = -10.0
_NW = 32


def _l2n(x, axis=-1):
    n = jnp.linalg.norm(x, axis=axis, keepdims=True)
    return x / jnp.clip(n, 1e-12)


def _mlp(p, x):
    h = jax.nn.relu(x @ p["l1"]["W"] + p["l1"]["b"])
    return h @ p["l2"]["W"] + p["l2"]["b"]



def _sims_body(q_ref, v_ref, o_ref):
    o_ref[...] = jax.lax.dot_general(
        q_ref[...], v_ref[...], (((1,), (1,)), ((), ())),
        preferred_element_type=jnp.float32)


def _sims(q, vocab, bv=2048):
    b, d = q.shape
    v = vocab.shape[0]
    return pl.pallas_call(
        _sims_body,
        grid=(pl.cdiv(v, bv),),
        in_specs=[
            pl.BlockSpec((b, d), lambda j: (0, 0)),
            pl.BlockSpec((bv, d), lambda j: (j, 0)),
        ],
        out_specs=pl.BlockSpec((b, bv), lambda j: (0, j)),
        out_shape=jax.ShapeDtypeStruct((b, v), jnp.float32),
    )(q, vocab)



def _fast_topk(s, k, nch, t_per):
    b, v = s.shape
    ch = v // nch
    sr = s.reshape(b, nch, ch)
    cv, ci = jax.lax.top_k(sr, t_per)
    base = (jnp.arange(nch, dtype=ci.dtype) * ch)[None, :, None]
    gi = (ci + base).reshape(b, nch * t_per)
    fv = cv.reshape(b, nch * t_per)
    mv, mi = jax.lax.top_k(fv, k)
    tk = mv[:, -1]
    chunk_min = cv[:, :, -1]
    ok = jnp.all(chunk_min < tk[:, None])

    def fast(_):
        return (mv, jnp.take_along_axis(gi, mi, axis=1))

    def slow(_):
        vv, ii = jax.lax.top_k(s, k)
        return (vv, ii)

    return jax.lax.cond(ok, fast, slow, None)



def _sc_gather(table, idx_flat):
    n = idx_flat.shape[0]
    d = table.shape[1]
    assert n % _NW == 0
    per_w = n // _NW
    chunk = per_w
    while chunk > 128:
        assert chunk % 2 == 0
        chunk //= 2
    n_chunks = per_w // chunk
    mesh = plsc.VectorSubcoreMesh(core_axis_name="c", subcore_axis_name="s")

    @functools.partial(
        pl.kernel, mesh=mesh,
        out_type=jax.ShapeDtypeStruct((n, d), jnp.float32),
        scratch_types=[
            pltpu.VMEM((chunk,), jnp.int32),
            pltpu.VMEM((chunk, d), jnp.float32),
            pltpu.SemaphoreType.DMA,
        ],
    )
    def k(table_hbm, idx_hbm, out_hbm, idx_v, rows_v, sem):
        wid = lax.axis_index("s") * 2 + lax.axis_index("c")
        base = wid * per_w
        for c in range(n_chunks):
            off = base + c * chunk
            pltpu.sync_copy(idx_hbm.at[pl.ds(off, chunk)], idx_v)
            pltpu.async_copy(table_hbm.at[idx_v], rows_v, sem).wait()
            pltpu.sync_copy(rows_v, out_hbm.at[pl.ds(off, chunk)])

    return k(table, idx_flat)



def kernel(pos_embs, neg_embs, neut_embs, assas_emb, enc_params, value_params,
           query_params, fc_params, vocab_emb):
    B = pos_embs.shape[0]

    cat = jnp.concatenate(
        [neg_embs.mean(axis=1), assas_emb, neut_embs.mean(axis=1),
         pos_embs.mean(axis=1)], axis=1)
    h = jnp.tanh(cat @ enc_params["fc1"]["W"] + enc_params["fc1"]["b"])
    h = jnp.tanh(h @ enc_params["fc2"]["W"] + enc_params["fc2"]["b"])
    inter = h @ enc_params["fc3"]["W"] + enc_params["fc3"]["b"]
    heads = [_l2n(inter @ hp["W"] + hp["b"], axis=1)
             for hp in enc_params["heads"]]
    stacked = jnp.stack(heads, axis=1)
    pooled = _l2n(stacked.mean(axis=1), axis=1)

    sims = _sims(pooled, vocab_emb)
    _, idx = _fast_topk(sims, _KW, 32, 16)
    w = vocab_emb[idx]
    wn = _l2n(w)

    pos_sim = jnp.einsum("bkd,bnd->bkn", wn, _l2n(pos_embs)).mean(axis=-1)
    neut_sim = jnp.einsum("bkd,bnd->bkn", wn, _l2n(neut_embs)).mean(axis=-1)
    assas_sim = jnp.einsum("bkd,bd->bk", wn, _l2n(assas_emb))
    score = pos_sim + _NEUT_W * neut_sim + _ASSAS_W * assas_sim
    order = jnp.argsort(-score, axis=1)
    word_embs = jnp.take_along_axis(w, order[:, :, None], axis=1)
    s_sorted = jnp.take_along_axis(score, order, axis=1)
    scores = s_sorted[:, :, None]

    tri = _l2n(stacked, axis=2)
    queries = jnp.stack([_mlp(query_params, tri[:, i]) for i in range(3)],
                        axis=1)
    values = _mlp(value_params, word_embs * scores)
    attn = jax.nn.softmax(
        jnp.einsum("bqd,bkd->bqk", queries, word_embs), axis=2)
    attn = jnp.einsum("bqk,bkd->bqd", attn, values).sum(axis=1)
    attn = _l2n(attn + pooled, axis=1)
    out = _l2n(_mlp(fc_params, attn), axis=1)

    _, hi_idx = jax.lax.top_k(scores[:, :, 0], 5)
    highest_scoring = jnp.take_along_axis(
        word_embs, hi_idx[:, :, None], axis=1).mean(axis=1)

    sims2 = _sims(out, vocab_emb)
    _, idx5 = _fast_topk(sims2, 5, 50, 8)
    search_embs = _sc_gather(vocab_emb, idx5.reshape(-1)).reshape(B, 5, _D)
    return out, highest_scoring, search_embs

# --- scband reference (transcript-rebuilt; emitter-appended) ---
"""Pipeline reference for scband-retrieval-transformer-nar-56461640073576 (READ-ONLY COPY).

The authoritative reference and input builder live on the scoring server;
editing this copy changes nothing except your own understanding.
"""

import jax, jax.numpy as jnp
import numpy as np

D = 768
V = 100000
KWORDS = 80
NHEADS = 3
NEG_W = 0.0
NEUT_W = 1.0
ASSAS_W = -10.0


def l2norm(x, axis=-1):
    n = jnp.linalg.norm(x, axis=axis, keepdims=True)
    return x / jnp.clip(n, 1e-12)


def _lin(k, fi, fo):
    return {"W": jax.random.normal(k, (fi, fo), jnp.float32) * (1.0 / np.sqrt(fi)),
            "b": jnp.zeros((fo,), jnp.float32)}


def setup_inputs(seed: int = 0):
    key = jax.random.key(seed)
    ks = jax.random.split(key, 16)
    B, NPOS, NNEG, NNEUT = 256, 9, 9, 6
    enc_params = {
        "fc1": _lin(ks[0], 3072, 4500),
        "fc2": _lin(ks[1], 4500, 2000),
        "fc3": _lin(ks[2], 2000, 1250),
        "heads": [_lin(ks[3], 1250, D), _lin(ks[4], 1250, D), _lin(ks[5], 1250, D)],
    }
    value_params = {"l1": _lin(ks[6], D, 812), "l2": _lin(ks[7], 812, D)}
    query_params = {"l1": _lin(ks[8], D, 812), "l2": _lin(ks[9], 812, D)}
    fc_params = {"l1": _lin(ks[10], D, 812), "l2": _lin(ks[11], 812, D)}
    vocab_emb = jax.random.normal(ks[12], (V, D), jnp.float32)
    pos_embs = jax.random.normal(ks[13], (B, NPOS, D), jnp.float32)
    neg_embs = jax.random.normal(ks[14], (B, NNEG, D), jnp.float32)
    neut_embs = jax.random.normal(ks[15], (B, NNEUT, D), jnp.float32)
    assas_emb = jax.random.normal(jax.random.fold_in(key, 99), (B, D), jnp.float32)
    return {"pos_embs": pos_embs, "neg_embs": neg_embs, "neut_embs": neut_embs,
            "assas_emb": assas_emb, "enc_params": enc_params, "value_params": value_params,
            "query_params": query_params, "fc_params": fc_params, "vocab_emb": vocab_emb}


def _mlp(p, x):
    h = jax.nn.relu(x @ p["l1"]["W"] + p["l1"]["b"])
    return h @ p["l2"]["W"] + p["l2"]["b"]


def _encoder(enc, pos, neg, neut, assas):
    # utils.cluster_embeddings == mean-pool over the word axis
    cat = jnp.concatenate([neg.mean(axis=1), assas, neut.mean(axis=1), pos.mean(axis=1)], axis=1)
    h = jnp.tanh(cat @ enc["fc1"]["W"] + enc["fc1"]["b"])
    h = jnp.tanh(h @ enc["fc2"]["W"] + enc["fc2"]["b"])
    inter = h @ enc["fc3"]["W"] + enc["fc3"]["b"]
    heads = [l2norm(inter @ hp["W"] + hp["b"], axis=1) for hp in enc["heads"]]
    stacked = jnp.stack(heads, axis=1)
    pooled = l2norm(stacked.mean(axis=1), axis=1)
    return pooled, stacked


def _rerank(vocab_emb, search_emb, pos, neg, neut, assas):
    # Reranker.rerank_and_process: retrieve top-K words from vocab by similarity,
    # score them against board embeddings with weights, and sort descending.
    sims = search_emb @ vocab_emb.T  # [B, V]
    _, idx = jax.lax.top_k(sims, KWORDS)
    w = vocab_emb[idx]  # [B, K, D]
    wn = l2norm(w)
    pos_sim = jnp.einsum("bkd,bnd->bkn", wn, l2norm(pos)).mean(axis=-1)
    neg_sim = jnp.einsum("bkd,bnd->bkn", wn, l2norm(neg)).mean(axis=-1)
    neut_sim = jnp.einsum("bkd,bnd->bkn", wn, l2norm(neut)).mean(axis=-1)
    assas_sim = jnp.einsum("bkd,bd->bk", wn, l2norm(assas))
    score = pos_sim + NEG_W * neg_sim + NEUT_W * neut_sim + ASSAS_W * assas_sim
    order = jnp.argsort(-score, axis=1)
    w_sorted = jnp.take_along_axis(w, order[:, :, None], axis=1)
    s_sorted = jnp.take_along_axis(score, order, axis=1)
    return w_sorted, s_sorted


def _forward(pos_embs, neg_embs, neut_embs, assas_emb, enc_params, value_params,
             query_params, fc_params, vocab_emb):
    pooled, tri = _encoder(enc_params, pos_embs, neg_embs, neut_embs, assas_emb)
    # freeze_encoder=True -> torch.no_grad() around encoder
    pooled = jax.lax.stop_gradient(pooled)
    tri = jax.lax.stop_gradient(tri)
    word_embs, scores = _rerank(vocab_emb, pooled, pos_embs, neg_embs, neut_embs, assas_emb)
    scores = scores[:, :, None]
    tri = l2norm(tri, axis=2)
    queries = jnp.stack([_mlp(query_params, tri[:, i]) for i in range(NHEADS)], axis=1)
    values = _mlp(value_params, word_embs * scores)
    attn = jax.nn.softmax(jnp.einsum("bqd,bkd->bqk", queries, word_embs), axis=2)
    attn = jnp.einsum("bqk,bkd->bqd", attn, values)
    attn = attn.sum(axis=1)
    attn = l2norm(attn + pooled, axis=1)
    out = l2norm(_mlp(fc_params, attn), axis=1)
    _, hi_idx = jax.lax.top_k(scores[:, :, 0], 5)
    highest_scoring = jnp.take_along_axis(word_embs, hi_idx[:, :, None], axis=1).mean(axis=1)
    sims2 = out @ vocab_emb.T
    _, idx5 = jax.lax.top_k(sims2, 5)
    search_embs = vocab_emb[idx5]
    return out, highest_scoring, search_embs


def reference(pos_embs, neg_embs, neut_embs, assas_emb, enc_params, value_params,
              query_params, fc_params, vocab_emb):
    return _forward(pos_embs, neg_embs, neut_embs, assas_emb, enc_params,
                    value_params, query_params, fc_params, vocab_emb)

if __name__ == "__main__":
    import jax
    _d = setup_inputs()
    print(jax.jit(kernel)(*tuple(_d.values())))

</pallas_src>

<mosaic_0001>
#map = affine_map<(d0, d1) -> (0, 0)>
#map1 = affine_map<(d0, d1) -> (0)>
module attributes {stable_mosaic.version = 14 : i64} {
  func.func @k(%arg0: i32, %arg1: i32, %arg2: memref<100000x768xf32, #tpu.memory_space<hbm>>, %arg3: memref<1280xi32, #tpu.memory_space<hbm>>, %arg4: memref<1280x768xf32, #tpu.memory_space<hbm>>, %arg5: memref<40xi32, #tpu.memory_space<vmem>>, %arg6: memref<40x768xf32, #tpu.memory_space<vmem>>, %arg7: memref<!tpu.dma_semaphore, #tpu.memory_space<semaphore_mem>>) attributes {dimension_semantics = [#tpu.dimension_semantics<core_parallel>, #tpu.dimension_semantics<subcore_parallel>], iteration_bounds = array<i64: 2, 16>, scalar_prefetch = 0 : i64, scratch_operands = 3 : i64, tpu.core_type = #tpu.core_type<sc_vector_subcore>, window_params = [{transform_indices = #map}, {transform_indices = #map1}, {transform_indices = #map}]} {
    %mul3A = arith.constant 2 : i32
    %mul3A_0 = arith.muli %arg1, %mul3A : i32
    %add3A = arith.addi %mul3A_0, %arg0 : i32
    %mul3A_1 = arith.constant 40 : i32
    %mul3A_2 = arith.muli %add3A, %mul3A_1 : i32
    %add3A_3 = arith.constant 0 : i32
    %add3A_4 = arith.addi %mul3A_2, %add3A_3 : i32
    "tpu.region"() ({
      %run_scoped3A = tpu.sem_alloc : memref<!tpu.dma_semaphore, #tpu.memory_space<semaphore_mem>>
      %dma_start3A_9 = tpu.memref_slice %arg3[%add3A_4] : memref<1280xi32, #tpu.memory_space<hbm>> -> memref<40xi32, #tpu.memory_space<hbm>>
      %dma_start3A_10 = tpu.memref_slice %arg3[%add3A_4] : memref<1280xi32, #tpu.memory_space<hbm>> -> memref<40xi32, #tpu.memory_space<hbm>>
      tpu.enqueue_dma source(%dma_start3A_10 : memref<40xi32, #tpu.memory_space<hbm>>) target(%arg5 : memref<40xi32, #tpu.memory_space<vmem>>) target_semaphore(%run_scoped3A : memref<!tpu.dma_semaphore, #tpu.memory_space<semaphore_mem>>)
      %dma_wait3A_11 = tpu.memref_slice %arg3[%add3A_4] : memref<1280xi32, #tpu.memory_space<hbm>> -> memref<40xi32, #tpu.memory_space<hbm>>
      %dma_wait3A_12 = tpu.memref_slice %arg3[%add3A_4] : memref<1280xi32, #tpu.memory_space<hbm>> -> memref<40xi32, #tpu.memory_space<hbm>>
      tpu.wait_dma2 semaphore(%run_scoped3A : memref<!tpu.dma_semaphore, #tpu.memory_space<semaphore_mem>>) src(%dma_wait3A_12 : memref<40xi32, #tpu.memory_space<hbm>>) dst(%arg5 : memref<40xi32, #tpu.memory_space<vmem>>)
      tpu.yield
    }) : () -> ()
    %dma_start3A = arith.constant 0 : i32
    %dma_start3A_5 = arith.constant 0 : i32
    %dma_start3A_6 = tpu.memref_slice %arg2[%dma_start3A, %dma_start3A_5] : memref<100000x768xf32, #tpu.memory_space<hbm>> -> memref<100000x768xf32, #tpu.memory_space<hbm>>
    tpu.enqueue_indirect_dma source(%dma_start3A_6 : memref<100000x768xf32, #tpu.memory_space<hbm>>) target(%arg6 : memref<40x768xf32, #tpu.memory_space<vmem>>) offsets(%arg5 : memref<40xi32, #tpu.memory_space<vmem>>) semaphore(%arg7 : memref<!tpu.dma_semaphore, #tpu.memory_space<semaphore_mem>>)
    %dma_wait3A = arith.constant 0 : i32
    %dma_wait3A_7 = arith.constant 0 : i32
    %dma_wait3A_8 = tpu.memref_slice %arg2[%dma_wait3A, %dma_wait3A_7] : memref<100000x768xf32, #tpu.memory_space<hbm>> -> memref<100000x768xf32, #tpu.memory_space<hbm>>
    tpu.wait_indirect_dma semaphore(%arg7 : memref<!tpu.dma_semaphore, #tpu.memory_space<semaphore_mem>>) src(%dma_wait3A_8 : memref<100000x768xf32, #tpu.memory_space<hbm>>) dst(%arg6 : memref<40x768xf32, #tpu.memory_space<vmem>>)
    "tpu.region"() ({
      %run_scoped3A = tpu.sem_alloc : memref<!tpu.dma_semaphore, #tpu.memory_space<semaphore_mem>>
      %dma_start3A_9 = arith.constant 0 : i32
      %dma_start3A_10 = tpu.memref_slice %arg4[%add3A_4, %dma_start3A_9] : memref<1280x768xf32, #tpu.memory_space<hbm>> -> memref<40x768xf32, #tpu.memory_space<hbm>>
      %dma_start3A_11 = arith.constant 0 : i32
      %dma_start3A_12 = tpu.memref_slice %arg4[%add3A_4, %dma_start3A_11] : memref<1280x768xf32, #tpu.memory_space<hbm>> -> memref<40x768xf32, #tpu.memory_space<hbm>>
      tpu.enqueue_dma source(%arg6 : memref<40x768xf32, #tpu.memory_space<vmem>>) target(%dma_start3A_12 : memref<40x768xf32, #tpu.memory_space<hbm>>) target_semaphore(%run_scoped3A : memref<!tpu.dma_semaphore, #tpu.memory_space<semaphore_mem>>)
      %dma_wait3A_13 = arith.constant 0 : i32
      %dma_wait3A_14 = tpu.memref_slice %arg4[%add3A_4, %dma_wait3A_13] : memref<1280x768xf32, #tpu.memory_space<hbm>> -> memref<40x768xf32, #tpu.memory_space<hbm>>
      %dma_wait3A_15 = arith.constant 0 : i32
      %dma_wait3A_16 = tpu.memref_slice %arg4[%add3A_4, %dma_wait3A_15] : memref<1280x768xf32, #tpu.memory_space<hbm>> -> memref<40x768xf32, #tpu.memory_space<hbm>>
      tpu.wait_dma2 semaphore(%run_scoped3A : memref<!tpu.dma_semaphore, #tpu.memory_space<semaphore_mem>>) src(%arg6 : memref<40x768xf32, #tpu.memory_space<vmem>>) dst(%dma_wait3A_16 : memref<40x768xf32, #tpu.memory_space<hbm>>)
      tpu.yield
    }) : () -> ()
    return
  }
}

module attributes {stable_mosaic.version = 14 : i64} {
  func.func @_sims_body(%arg0: i32, %arg1: memref<256x768xf32, #tpu.memory_space<vmem>>, %arg2: memref<2048x768xf32, #tpu.memory_space<vmem>>, %arg3: memref<256x2048xf32, #tpu.memory_space<vmem>>) attributes {dimension_semantics = [#tpu.dimension_semantics<arbitrary>], iteration_bounds = array<i64: 49>, scalar_prefetch = 0 : i64, scratch_operands = 0 : i64, tpu.core_type = #tpu.core_type<tc>, window_params = [{pipeline_mode = #tpu.pipeline_mode<synchronous>, transform_indices = @transform_0, window_bounds = array<i64: 256, 768>}, {transform_indices = @transform_1, window_bounds = array<i64: 2048, 768>}, {transform_indices = @transform_2, window_bounds = array<i64: 256, 2048>}]} {
    %get3A = arith.constant 0 : index
    %get3A_0 = arith.constant 0 : index
    %get3A_1 = vector.load %arg1[%get3A, %get3A_0] : memref<256x768xf32, #tpu.memory_space<vmem>>, vector<256x768xf32>
    %get3A_2 = arith.constant 0 : index
    %get3A_3 = arith.constant 0 : index
    %get3A_4 = vector.load %arg2[%get3A_2, %get3A_3] : memref<2048x768xf32, #tpu.memory_space<vmem>>, vector<2048x768xf32>
    %dot_general3A = arith.constant dense<0.000000e+00> : vector<256x2048xf32>
    %dot_general3A_5 = tpu.matmul %get3A_1, %get3A_4, %dot_general3A {dimension_numbers = #tpu.dot_dimension_numbers<[1], [1], [0], [0], [0, 0, 1, 0], [], []>, transpose_lhs_hint = false} : vector<256x768xf32>, vector<2048x768xf32>, vector<256x2048xf32> -> vector<256x2048xf32>
    %swap3A = arith.constant 0 : index
    %swap3A_6 = arith.constant 0 : index
    %swap3A_7 = vector.load %arg3[%swap3A, %swap3A_6] : memref<256x2048xf32, #tpu.memory_space<vmem>>, vector<256x2048xf32>
    tpu.vector_store %arg3[%swap3A, %swap3A_6], %dot_general3A_5 {strides = array<i32>} : memref<256x2048xf32, #tpu.memory_space<vmem>>, vector<256x2048xf32>,
    return
  }
  func.func @transform_0(%arg0: i32) -> (i32, i32) {
    %c0_i32 = arith.constant 0 : i32
    %c0_i32_0 = arith.constant 0 : i32
    %c0_i32_1 = arith.constant 0 : i32
    return %c0_i32, %c0_i32_0 : i32, i32
  }
  func.func @transform_1(%arg0: i32) -> (i32, i32) {
    %c0_i32 = arith.constant 0 : i32
    %c0_i32_0 = arith.constant 0 : i32
    return %arg0, %c0_i32 : i32, i32
  }
  func.func @transform_2(%arg0: i32) -> (i32, i32) {
    %c0_i32 = arith.constant 0 : i32
    %c0_i32_0 = arith.constant 0 : i32
    return %c0_i32, %arg0 : i32, i32
  }
}

</mosaic_0001>

<sc_bundles>
// kernel: gather_offload_async_start.1
scs
__scs_entry_jumppad:
0x0: {  	(pc) =	sbr.rel $0x88, $3  }
0x1: {  	(tag) =	ssettag $0x0;
	lr =	simm.s32 $0x1  }
0x2: {  	[smem:$0x3F84] =	sst lr;
	_ =	strace $0xD0000000  }
0x3: {  	_ = 	snop  }
0x4: {  	_ = 	snop  }
0x5: {  	_ = 	snop  }
0x6: {  	_ = 	snop  }
0x7: {  	_ = 	snop  }
__scs_overlays_trampoline_lowered:
0x8: {  	[smem:$0x3F93] =	sst s0  }
0x9: {  	[smem:$0x3F94] =	sst s1  }
0xa: {  	[smem:$0x3F95] =	sst s2  }
0xb: {  	[smem:$0x3F96] =	sst s3  }
0xc: {  	[smem:$0x3F97] =	sst s4  }
0xd: {  	[smem:$0x3F98] =	sst s5  }
0xe: {  	[smem:$0x3F99] =	sst s6  }
0xf: {  	[smem:$0x3F9A] =	sst s7  }
0x10: {  	[smem:$0x3F9B] =	sst s8  }
0x11: {  	[smem:$0x3F9C] =	sst s9;
	s0 =	simm.s32 @!p0 $0x0  }
0x12: {  	s1 =	sld [smem:$0x3F82];
	s0 =	simm.s32 @p0 $0x1  }
0x13: {  	[smem:$0x3F9D] =	sst s0;
	s0 =	simm.s32 @!p1 $0x0  }
0x14: {  	s2 =	sld [smem:$0x3F81];
	s0 =	simm.s32 @p1 $0x1  }
0x15: {  	[smem:$0x3F9E] =	sst s0;
	s0 =	simm.s32 @!p2 $0x0  }
0x16: {  	s3 =	sld [smem:$0x3FDB];
	s0 =	simm.s32 @p2 $0x1  }
0x17: {  	s4 =	simm.s32 $0x1BF5;
	[smem:$0x3FA0] =	sst s0  }
0x18: {  	s0 =	sld [smem:$0x3F83];
	_ =	swait.ge [sflag:s4], $0x0  }
0x19: {  	s7 =	sld [smem:$0x3F84]  }
0x1a: {  	s8 =	sadd.s32 $0xFFFFE003, lr  }
0x1b: {  	s9 =	sadd.s32 $0xFFFFFEF7, lr;
	s5 =	simm.s32 $0xFFFFFFFF;
	p2 =	slt.u32 s8, $0xFFFFF086  }
0x1c: {  	p1 =	slt.u32 s9, $0xF7A;
	s5 =	simm.s32 @!p2 $0x0  }
0x1d: {  	s5 =	simm.s32 @p1 $0x1;
	p0 =	seq.s32 s7, s2  }
0x1e: {  	s7 =	smul.u32 @!p0 $0xF7A, s2;
	p2 =	seq.s32 @!p0 s5, $0x0  }
0x1f: {  	s9 =	smul.u32 $0xF7A, s1;
	s8 =	simm.s32 @!p0 $0x1BF5;
	p2 =	por !p2, p0  }
0x20: {  	[sflag:s8] =	ssyncset.s32 @!p0 $0xFFFFF086;
	s6 =	sadd.s32 @!p0 s3, s7;
	s7 =	simm.s32 @!p0 $0x108  }
0x21: {  	s3 =	sadd.s32 s3, s9;
	s6 =	sadd.s32 @!p0 $0x88, s6;
	s7 =	simm.s32 @p2 $0x1082  }
0x22: {  	[simem:s7], [sflag:s8] =	dma.local @!p0 [hbm:s6], $0xF7A  }
0x23: {  	s9 =	sor.u32 $0xD0000000, s2;
	s6 =	simm.s32 $0x108;
	_ =	swait.ge @!p0 [sflag:s8], $0x0  }
0x24: {  	s3 =	sadd.s32 $0x88, s3;
	s6 =	simm.s32 @!p1 $0x1082;
	[sflag:s4] =	ssyncset.s32 $0xFFFFF086  }
0x25: {  	[simem:s6], [sflag:s4] =	dma.local [hbm:s3], $0xF7A  }
0x26: {  	[smem:$0x3F84] =	sst s1;
	(tag) =	ssettag s2;
	_ =	strace s9  }
0x27: {  	s1 =	sld [smem:$0x3F94]  }
0x28: {  	s2 =	sld [smem:$0x3F95]  }
0x29: {  	s4 =	sld [smem:$0x3F97]  }
0x2a: {  	p0 =	seq.s32 s5, $0x0;
	s5 =	sld [smem:$0x3F98]  }
0x2b: {  	s6 =	sld [smem:$0x3F99]  }
0x2c: {  	s7 =	sld [smem:$0x3F9A]  }
0x2d: {  	s3 =	simm.s32 $0x108;
	s8 =	sld [smem:$0x3F9B]  }
0x2e: {  	s3 =	simm.s32 @!p0 $0x1082;
	s9 =	sld [smem:$0x3F9C]  }
0x2f: {  	lr =	sadd.s32 s0, s3;
	s0 =	sld [smem:$0x3F93]  }
0x30: {  	s3 =	sld [smem:$0x3F96]  }
0x31: {  	[smem:$0x3F9F] =	sst s10  }
0x32: {  	s10 =	sld [smem:$0x3F9D];
	_ =	sdelay $0x3  }
0x33: {  	p0 =	seq.s32 s10, $0x1;
	s10 =	sld [smem:$0x3F9F];
	_ =	sdelay $0x3  }
0x34: {  	[smem:$0x3F9F] =	sst s10  }
0x35: {  	s10 =	sld [smem:$0x3F9E];
	_ =	sdelay $0x3  }
0x36: {  	p1 =	seq.s32 s10, $0x1;
	s10 =	sld [smem:$0x3F9F];
	_ =	sdelay $0x3  }
0x37: {  	[smem:$0x3F9F] =	sst s10  }
0x38: {  	s10 =	sld [smem:$0x3FA0]  }
0x39: {  	_ = 	snop;
	(pc) =	sbr.ind lr, $3  }
0x3a: {  	_ = 	snop  }
0x3b: {  	_ = 	snop  }
0x3c: {  	p2 =	seq.s32 s10, $0x1;
	s10 =	sld [smem:$0x3F9F]  }
0x3d: {  	_ =	shalt  }
0x3e: {  	_ =	shalt  }
0x3f: {  	_ =	shalt  }
0x40: {  	_ =	shalt  }
0x41: {  	_ =	shalt  }
0x42: {  	_ =	shalt  }
0x43: {  	_ =	shalt  }
0x44: {  	_ =	shalt  }
0x45: {  	_ =	shalt  }
0x46: {  	_ =	shalt  }
0x47: {  	_ =	shalt  }
0x48: {  	_ =	shalt  }
0x49: {  	_ =	shalt  }
0x4a: {  	_ =	shalt  }
0x4b: {  	_ =	shalt  }
0x4c: {  	_ =	shalt  }
0x4d: {  	_ =	shalt  }
0x4e: {  	_ =	shalt  }
0x4f: {  	_ =	shalt  }
0x50: {  	_ =	shalt  }
0x51: {  	_ =	shalt  }
0x52: {  	_ =	shalt  }
0x53: {  	_ =	shalt  }
0x54: {  	_ =	shalt  }
0x55: {  	_ =	shalt  }
0x56: {  	_ =	shalt  }
0x57: {  	_ =	shalt  }
0x58: {  	_ =	shalt  }
0x59: {  	_ =	shalt  }
0x5a: {  	_ =	shalt  }
0x5b: {  	_ =	shalt  }
0x5c: {  	_ =	shalt  }
0x5d: {  	_ =	shalt  }
0x5e: {  	_ =	shalt  }
0x5f: {  	_ =	shalt  }
0x60: {  	_ =	shalt  }
0x61: {  	_ =	shalt  }
0x62: {  	_ =	shalt  }
0x63: {  	_ =	shalt  }
0x64: {  	_ =	shalt  }
0x65: {  	_ =	shalt  }
0x66: {  	_ =	shalt  }
0x67: {  	_ =	shalt  }
0x68: {  	_ =	shalt  }
0x69: {  	_ =	shalt  }
0x6a: {  	_ =	shalt  }
0x6b: {  	_ =	shalt  }
0x6c: {  	_ =	shalt  }
0x6d: {  	_ =	shalt  }
0x6e: {  	_ =	shalt  }
0x6f: {  	_ =	shalt  }
0x70: {  	_ =	shalt  }
0x71: {  	_ =	shalt  }
0x72: {  	_ =	shalt  }
0x73: {  	_ =	shalt  }
0x74: {  	_ =	shalt  }
0x75: {  	_ =	shalt  }
0x76: {  	_ =	shalt  }
0x77: {  	_ =	shalt  }
0x78: {  	_ =	shalt  }
0x79: {  	_ =	shalt  }
0x7a: {  	_ =	shalt  }
0x7b: {  	_ =	shalt  }
0x7c: {  	_ =	shalt  }
0x7d: {  	_ =	shalt  }
0x7e: {  	_ =	shalt  }
0x7f: {  	_ =	shalt  }
0x80: {  	_ =	shalt  }
0x81: {  	_ =	shalt  }
0x82: {  	_ =	shalt  }
0x83: {  	_ =	shalt  }
0x84: {  	_ =	shalt  }
0x85: {  	_ =	shalt  }
0x86: {  	_ =	shalt  }
0x87: {  	_ =	shalt  }
.Lfunc_end0:
.L_simem_size_0:
called_computation.2_lowered:
.L_overlay_start_0:
0x88: {  	s2 =	sld [smem:$0x3FD9]  }
0x89: {  	s3 =	sld [smem:$0x3FFE];
	_ =	sdelay $0x1  }
0x8a: {  	s1 =	srdreg.scid  }
0x8b: {  	s0 =	sand.u32 $0x1, s1  }
0x8c: {  	s14 =	sshll.u32 s0, $0xA;
	s2 =	sadd.s32 s3, s2  }
0x8d: {  	s2 =	sadd.s32 s2, s14  }
0x8e: {  	[smem:$0x3FAB] =	sst s2  }
0x8f: {  	_ = 	snop  }
0x90: {  	s2 =	sld [smem:$0x3FD0];
	_ =	sdelay $0x2  }
0x91: {  	s15 =	simm.s32 $0xB;
	s4 =	simm.s32 $0x10  }
0x92: {  	[smem:s4], [sflag:s15] =	dma.local [hbm:s2], $0x1  }
0x93: {  	_ =	swait.eq [sflag:s15], $0x1  }
0x94: {  	[sflag:s15] =	ssyncset.done $0x0  }
0x95: {  	s16 =	sld [smem:$0x11];
	[sflag:s15] =	ssyncadd.s32 $0xFFFFFFFF  }
0x96: {  	s17 =	sld [smem:$0x12];
	(tm) =	ssettm $0x1  }
0x97: {  	s18 =	sld [smem:$0x3FFB];
	_ =	sdelay $0x3  }
0x98: {  	_ =	strace s18  }
0x99: {  	s4 =	sld [smem:$0x3FFC];
	_ =	sdelay $0x3  }
0x9a: {  	_ =	strace s4  }
0x9b: {  	s4 =	sld [smem:$0x3FFD];
	_ =	sdelay $0x3  }
0x9c: {  	_ =	strace s4  }
0x9d: {  	_ =	strace $0x8FFFFFFF  }
0x9e: {  	s19 =	sld [smem:$0x3FDB];
	_ =	sdelay $0x1  }
0x9f: {  	s5 =	simm.s32 $_scs_section_size  }
0xa0: {  	s6 =	simm.s32 $_size__tile_overlayer_lowered;
	s7 =	simm.s32 $_tile_overlayer_lowered  }
0xa1: {  	s22 =	simm.s32 $0x1BFF;
	s21 =	sshll.u32 s7, $0x1;
	s4 =	sadd.s32 s5, s19  }
0xa2: {  	s8 =	simm.s32 $0x0;
	s20 =	sshll.u32 s6, $0x1;
	s6 =	sadd.s32 s21, s4  }
0xa3: {  	[timem:s8], [sflag:s22] =	dma.local [hbm:s6], s20  }
0xa4: {  	_ =	swait.ge [sflag:s22], s20  }
0xa5: {  	s5 =	ssub.s32 $0x0, s20;
	[sflag:s22] =	ssyncset.done $0x0  }
0xa6: {  	[sflag:s22] =	ssyncadd.s32 s5;
	_ =	sdelay $0x1  }
0xa7: {  	s23 =	simm.s32 $0x1B8B  }
0xa8: {  	_ =	swait.ge [sflag:s23], $0x1  }
0xa9: {  	[sflag:s23] =	ssyncset.done $0x0  }
0xaa: {  	s25 =	simm.s32 $0x1B8E;
	s24 =	sld [smem:$0x3FFE];
	[sflag:s23] =	ssyncadd.s32 $0xFFFFFFFF  }
0xab: {  	s26 =	simm.s32 $execute0_lowered;
	[smem:$0x3FD2] =	sst s25  }
0xac: {  	s6 =	sshll.u32 s26, $0x1;
	_ =	strace $0x8000005B;
	[dreg:$0x1] =	wrdreg $0xFFFFFFFF  }
0xad: {  	s28 =	simm.s32 $_size_execute0_lowered;
	s4 =	sadd.s32 s4, s6;
	[dreg:$0x0] =	wrdreg $0x0  }
0xae: {  	s6 =	sshll.u32 s28, $0x1;
	[dreg:$0x2] =	wrdreg s4  }
0xaf: {  	[dreg:$0x3] =	wrdreg s6  }
0xb0: {  	[dreg:$0x4] =	wrdreg $0xC0  }
0xb1: {  	_ =	task [dreg:s8], $0x5FFFF  }
0xb2: {  	[dreg:$0x1] =	wrdreg $0xFFFFFFFF  }
0xb3: {  	[dreg:$0x0] =	wrdreg $0x60  }
0xb4: {  	[dreg:$0x2] =	wrdreg s16  }
0xb5: {  	[dreg:$0x3] =	wrdreg s17  }
0xb6: {  	[dreg:$0x4] =	wrdreg s24  }
0xb7: {  	[dreg:$0x5] =	wrdreg $0x9  }
0xb8: {  	_ =	task.clear_ibuf [dreg:s8], $0x6FFFF;
	_ =	strace $0x9000005B  }
0xb9: {  	s29 =	simm.s32 $0x9;
	_ =	strace $0x8000005D  }
0xba: {  	_ =	swait.ge [sflag:s29], $0x1  }
0xbb: {  	[sflag:s29] =	ssyncadd.s32 $0xFFFFFFFF  }
0xbc: {  	_ =	strace $0x9000005D  }
0xbd: {  	_ =	sfence  }
0xbe: {  	s30 =	sld [smem:$0x0];
	_ =	sdelay $0x2  }
0xbf: {  	s31 =	sshll.u32 s1, $0xD;
	s1 =	sshrl.u32 s1, $0x2  }
0xc0: {  	s3 =	sand.u32 $0x4000, s31;
	s1 =	sadd.s32 s1, s30  }
0xc1: {  	s0 =	sor.u32 s3, s0;
	s1 =	sshll.u32 s1, $0x11  }
0xc2: {  	s0 =	sor.u32 s1, s0  }
0xc3: {  	s0 =	sadd.s32 $0x8F2B, s0  }
0xc4: {  	[sflag:s0] =	ssyncadd.remote.s32 $0x1  }
0xc5: {  	_ =	sfence.sel $0xFFFF  }
0xc6: {  	[dreg:$0x0] =	wrdreg $0xFFFFFFFF;
	(pc) =	sbr.abs _section_cstart, $3  }
0xc7: {  	[dreg:$0x1] =	wrdreg $0xFFFFFFFF  }
0xc8: {  	_ =	task.clear_ibuf [dreg:s8], $0x2FFFF;
	_ =	strace $0x9FFFFFFF  }
0xc9: {  	(tm) =	ssettm $0x7FFFFFFF  }
tec
execute0_lowered:
.L_overlay_start_1:
0x0: {  	(tag) =	ssettag $0x1  }
0x1: {  	s1 =	srdreg.scid;
	s2 =	rddreg [dreg:$0x0]  }
0x2: {  	s0 =	stileid.u32;
	s3 =	rddreg [dreg:$0x1]  }
0x3: {  	s8 =	rddreg [dreg:$0x2];
	s5 =	simm.s32 $0x1;
	s1 =	sshll.u32 s1, $0x5  }
0x4: {  	s9 =	simm.s32 $0x1;
	s4 =	sshll.u32 s0, $0x6;
	s1 =	sand.u32 $0x20, s1  }
0x5: {  	s10 =	simm.s32 $0x3;
	s13 =	simm.s32 $0x0;
	s4 =	sor.u32 s4, s1  }
0x6: {  	s12 =	simm.s32 $0x0;
	s1 =	rddreg [dreg:$0x3];
	s7 =	ssub.s32 $0x500, s4  }
.Ltmp0:
0x7: {  	_ =	strace $0x8000005C;
	s6 =	sand.u32 $0x3E0, s7;
	(pc) =	sbr.rel .LBB2_1-.Ltmp0, $4  }
0x8: {  	s8 =	sadd.s32 $0x200, s8;
	[sflag:s5] =	ssyncpa.u1 $0x0;
	p0 =	sne.s32 s6, $0x0  }
0x9: {  	s7 =	sshrl.u32 s7, $0xA;
	s6 =	simm.s32 $0x2;
	s9 =	simm.s32 @!p0 $0x0  }
0xa: {  	s11 =	smov.u32 s4;
	[sflag:s6] =	ssyncpa.u1 $0x0;
	s7 =	sadd.s32 s9, s7  }
0xb: {  	vm0 =	vmmov $0xffff;
	[sflag:s10] =	ssyncpa.u1 $0x0;
	s10 =	simm.s32 $0x0;
	s9 =	sadd.s32 $0x1, s7  }
.LBB2_5:
0xc: {  	s15 =	sadd.s32 $0x400, s11  }
0xd: {  	p1 =	sgt.s32 s15, $0x4FF  }
0xe: {  	s15 =	smov.u32 @p1 s4;
	p1 =	sne.s32 s12, s9  }
.Ltmp1:
0xf: {  	p0 =	slt.u32 s12, $0x2;
	(pc) =	sbr.rel @!p1 .LBB2_6-.Ltmp1, $4  }
0x10: {  	s14 =	simm.s32 @!p0 $0x3  }
0x11: {  	_ =	swait.ge @!p0 [sflag:s14], $0x20  }
0x12: {  	s16 =	sadd.s32 $0x1, s12;
	s13 =	smov.u32 s11;
	[sflag:s14] =	ssyncset.done @!p0 $0x0  }
0x13: {  	s12 =	smov.u32 s16;
	s11 =	smov.u32 s15;
	[sflag:s14] =	ssyncadd.s32 @!p0 $0xFFFFFFE0  }
.LBB2_1:
0x14: {  	p0 =	sge.u32 s12, s7  }
0x15: {  	s14 =	sxor.u32 @!p0 $0xFFFFFFFF, s12  }
0x16: {  	s31 =	sadd.s32 $0xFFFFFFFF, s12;
	s15 =	sshrl.u32 @!p0 s11, $0x3;
	s14 =	sshll.u32 @!p0 s14, $0x5  }
0x17: {  	s16 =	sand.u32 @!p0 $0x7, s11;
	s15 =	sadd.s32 @!p0 s3, s15;
	s14 =	sand.u32 @!p0 $0x20, s14  }
0x18: {  	[tilespmem:s14], [sflag:$0x2] =	stream.linear.gather @!p0 [hbm4b:s15+s16], $0x20, $0x38;
	[tilespmem:$0x80] =	vst v63  }
0x19: {  	p0 =	sge.u32 s31, s7  }
.Ltmp2:
0x1a: {  	_ = 	snop;
	(pc) =	sbr.rel @p0 .LBB2_5-.Ltmp2, $1  }
0x1b: {  	_ =	sdelay $0x3  }
0x1c: {  	_ =	swait.ge [sflag:s6], $0x20;
	s14 =	sshll.u32 s12, $0x5;
	s16 =	simm.s32 $0x0  }
0x1d: {  	p0 =	por $0x1, $0x1;
	[sflag:s6] =	ssyncset.done $0x0;
	s15 =	sand.u32 $0x20, s14  }
0x1e: {  	[sflag:s6] =	ssyncadd.s32 $0xFFFFFFE0;
	(ifvalue) =	ssetifvalue $0x7FFFFFFF;
	s14 =	sor.u32 $0x40, s15  }
.LBB2_3:
0x1f: {  	s17 =	sadd.s32 s16, s15  }
0x20: {  	v0 =	vld.msk [tilespmem:s17+$0x0 ss:$0x1], $0xffff;
	_ =	sdelay $0x4  }
0x21: {  	v1 =	vshrl.u32 v0, $0x8  }
0x22: {  	vm1 =	veq.s32 v0, $0x80000000;
	v0 =	vand.u32 $0xFF, v0;
	v1 =	vand.u32 $0x1FF, v1  }
0x23: {  	v0 =	vsel vm1, $0xFFFFFFFF, v0;
	v1 =	vsel vm1, $0xFFFFFFFF, v1  }
0x24: {  	v3 =	vshll.u32 v0, $0x3;
	v2 =	vshll.u32 v1, $0x8  }
0x25: {  	v3 =	vand.u32 $0xFFFFFC00, v3;
	v1 =	vshll.u32 v1, $0x7;
	v2 =	vand.u32 $0xFFFFF800, v2  }
0x26: {  	v1 =	vand.u32 $0x380, v1;
	v2 =	vadd.s32 v3, v2  }
0x27: {  	v0 =	vand.u32 $0x7F, v0;
	v1 =	vor.u32 v1, v2  }
0x28: {  	p1 =	por p0, p0;
	v0 =	vor.u32 v0, v1  }
.Ltmp3:
0x29: {  	_ = 	snop;
	(pc) =	sbr.rel @p1 .LBB2_3-.Ltmp3, $4  }
0x2a: {  	_ = 	snop  }
0x2b: {  	s31 =	sadd.s32 s16, s14  }
0x2c: {  	s16 =	simm.s32 $0x10;
	p0 =	por $0x0, $0x0;
	(ifvalue) =	ssetifvalue $0x7FFFFFFF  }
0x2d: {  	[tilespmem:s31], [sflag:$0x1] =	stream.indirect_vreg.gather [hbm4b:s2+s10], $0x1, v0, vm0, $0x4038;
	[tilespmem:$0x80] =	vst v63  }
.Ltmp4:
0x2e: {  	(pc) =	sbr.rel .LBB2_5-.Ltmp4, $4  }
0x2f: {  	_ =	swait.ge [sflag:s5], $0x20  }
0x30: {  	s15 =	sshrl.u32 s13, $0x3;
	[sflag:s5] =	ssyncset.done $0x0  }
0x31: {  	s31 =	sand.u32 $0x7, s13;
	s15 =	sadd.s32 s8, s15;
	[sflag:s5] =	ssyncadd.s32 $0xFFFFFFE0  }
0x32: {  	[hbm4b:s15+s31] =	stream.linear.scatter [tilespmem:s14], [sflag:$0x3], $0x20, $0x38;
	[tilespmem:$0x80] =	vst v63  }
.LBB2_6:
0x33: {  	_ =	sfence.sel $0x180000  }
0x34: {  	s2 =	simm.s32 $0x2;
	[bflag:$0x0] =	sbarrier.arrive $0xFFFF  }
0x35: {  	s30 =	simm.s32 $0x3;
	[sflag:s2] =	ssyncpa.u1 $0x1  }
0x36: {  	s31 =	simm.s32 $0x1;
	[sflag:s30] =	ssyncpa.u1 $0x1  }
0x37: {  	[sflag:s31] =	ssyncpa.u1 $0x1  }
0x38: {  	p0 =	sne.s32 s0, $0x0;
	_ =	strace $0x9000005C  }
0x39: {  	s0 =	sadd.s32 @!p0 $0x100000, s1;
	[bflag:$0x2] =	sbarrier.arrive $0xFFFF  }
0x3a: {  	[sflag:s0] =	ssyncadd.tile.s32 @!p0 $0x1;
	_ =	shalt  }
.Lfunc_end2:
_tile_overlayer_lowered:
.L_overlay_start_2:
0x3b: {  	(tag) =	ssettag $0x2  }
0x3c: {  	s0 =	rddreg [dreg:$0x0];
	s2 =	stileid.u32  }
0x3d: {  	s1 =	rddreg [dreg:$0x1];
	p0 =	sne.s32 s2, $0x0  }
0x3e: {  	s3 =	rddreg [dreg:$0x2];
	[bflag:$0x3] =	sbarrier.arrive $0xFFFF;
	s2 =	simm.s32 @!p0 $0x1C01  }
0x3f: {  	[timem:s3], [sflag:s2] =	dma.local @!p0 [hbm:s0], s1  }
0x40: {  	s0 =	simm.s32 @!p0 $0x1  }
0x41: {  	_ =	swait.ge @!p0 [sflag:s0], s1  }
0x42: {  	s1 =	ssub.s32 @!p0 $0x0, s1;
	[sflag:s0] =	ssyncset.done @!p0 $0x0  }
0x43: {  	[sflag:s0] =	ssyncadd.s32 @!p0 s1  }
0x44: {  	[bflag:$0x3] =	sbarrier.arrive $0xFFFF  }
0x45: {  	_ =	shalt  }

// kernel: gather_offload_async_start.2
scs
__scs_entry_jumppad:
0x0: {  	(pc) =	sbr.rel $0x88, $3  }
0x1: {  	(tag) =	ssettag $0x0;
	lr =	simm.s32 $0x1  }
0x2: {  	[smem:$0x3F84] =	sst lr;
	_ =	strace $0xD0000000  }
0x3: {  	_ = 	snop  }
0x4: {  	_ = 	snop  }
0x5: {  	_ = 	snop  }
0x6: {  	_ = 	snop  }
0x7: {  	_ = 	snop  }
__scs_overlays_trampoline_lowered:
0x8: {  	[smem:$0x3F93] =	sst s0  }
0x9: {  	[smem:$0x3F94] =	sst s1  }
0xa: {  	[smem:$0x3F95] =	sst s2  }
0xb: {  	[smem:$0x3F96] =	sst s3  }
0xc: {  	[smem:$0x3F97] =	sst s4  }
0xd: {  	[smem:$0x3F98] =	sst s5  }
0xe: {  	[smem:$0x3F99] =	sst s6  }
0xf: {  	[smem:$0x3F9A] =	sst s7  }
0x10: {  	[smem:$0x3F9B] =	sst s8  }
0x11: {  	[smem:$0x3F9C] =	sst s9;
	s0 =	simm.s32 @!p0 $0x0  }
0x12: {  	s1 =	sld [smem:$0x3F82];
	s0 =	simm.s32 @p0 $0x1  }
0x13: {  	[smem:$0x3F9D] =	sst s0;
	s0 =	simm.s32 @!p1 $0x0  }
0x14: {  	s2 =	sld [smem:$0x3F81];
	s0 =	simm.s32 @p1 $0x1  }
0x15: {  	[smem:$0x3F9E] =	sst s0;
	s0 =	simm.s32 @!p2 $0x0  }
0x16: {  	s3 =	sld [smem:$0x3FDB];
	s0 =	simm.s32 @p2 $0x1  }
0x17: {  	s4 =	simm.s32 $0x1BF5;
	[smem:$0x3FA0] =	sst s0  }
0x18: {  	s0 =	sld [smem:$0x3F83];
	_ =	swait.ge [sflag:s4], $0x0  }
0x19: {  	s7 =	sld [smem:$0x3F84]  }
0x1a: {  	s8 =	sadd.s32 $0xFFFFE003, lr  }
0x1b: {  	s9 =	sadd.s32 $0xFFFFFEF7, lr;
	s5 =	simm.s32 $0xFFFFFFFF;
	p2 =	slt.u32 s8, $0xFFFFF086  }
0x1c: {  	p1 =	slt.u32 s9, $0xF7A;
	s5 =	simm.s32 @!p2 $0x0  }
0x1d: {  	s5 =	simm.s32 @p1 $0x1;
	p0 =	seq.s32 s7, s2  }
0x1e: {  	s7 =	smul.u32 @!p0 $0xF7A, s2;
	p2 =	seq.s32 @!p0 s5, $0x0  }
0x1f: {  	s9 =	smul.u32 $0xF7A, s1;
	s8 =	simm.s32 @!p0 $0x1BF5;
	p2 =	por !p2, p0  }
0x20: {  	[sflag:s8] =	ssyncset.s32 @!p0 $0xFFFFF086;
	s6 =	sadd.s32 @!p0 s3, s7;
	s7 =	simm.s32 @!p0 $0x108  }
0x21: {  	s3 =	sadd.s32 s3, s9;
	s6 =	sadd.s32 @!p0 $0x88, s6;
	s7 =	simm.s32 @p2 $0x1082  }
0x22: {  	[simem:s7], [sflag:s8] =	dma.local @!p0 [hbm:s6], $0xF7A  }
0x23: {  	s9 =	sor.u32 $0xD0000000, s2;
	s6 =	simm.s32 $0x108;
	_ =	swait.ge @!p0 [sflag:s8], $0x0  }
0x24: {  	s3 =	sadd.s32 $0x88, s3;
	s6 =	simm.s32 @!p1 $0x1082;
	[sflag:s4] =	ssyncset.s32 $0xFFFFF086  }
0x25: {  	[simem:s6], [sflag:s4] =	dma.local [hbm:s3], $0xF7A  }
0x26: {  	[smem:$0x3F84] =	sst s1;
	(tag) =	ssettag s2;
	_ =	strace s9  }
0x27: {  	s1 =	sld [smem:$0x3F94]  }
0x28: {  	s2 =	sld [smem:$0x3F95]  }
0x29: {  	s4 =	sld [smem:$0x3F97]  }
0x2a: {  	p0 =	seq.s32 s5, $0x0;
	s5 =	sld [smem:$0x3F98]  }
0x2b: {  	s6 =	sld [smem:$0x3F99]  }
0x2c: {  	s7 =	sld [smem:$0x3F9A]  }
0x2d: {  	s3 =	simm.s32 $0x108;
	s8 =	sld [smem:$0x3F9B]  }
0x2e: {  	s3 =	simm.s32 @!p0 $0x1082;
	s9 =	sld [smem:$0x3F9C]  }
0x2f: {  	lr =	sadd.s32 s0, s3;
	s0 =	sld [smem:$0x3F93]  }
0x30: {  	s3 =	sld [smem:$0x3F96]  }
0x31: {  	[smem:$0x3F9F] =	sst s10  }
0x32: {  	s10 =	sld [smem:$0x3F9D];
	_ =	sdelay $0x3  }
0x33: {  	p0 =	seq.s32 s10, $0x1;
	s10 =	sld [smem:$0x3F9F];
	_ =	sdelay $0x3  }
0x34: {  	[smem:$0x3F9F] =	sst s10  }
0x35: {  	s10 =	sld [smem:$0x3F9E];
	_ =	sdelay $0x3  }
0x36: {  	p1 =	seq.s32 s10, $0x1;
	s10 =	sld [smem:$0x3F9F];
	_ =	sdelay $0x3  }
0x37: {  	[smem:$0x3F9F] =	sst s10  }
0x38: {  	s10 =	sld [smem:$0x3FA0]  }
0x39: {  	_ = 	snop;
	(pc) =	sbr.ind lr, $3  }
0x3a: {  	_ = 	snop  }
0x3b: {  	_ = 	snop  }
0x3c: {  	p2 =	seq.s32 s10, $0x1;
	s10 =	sld [smem:$0x3F9F]  }
0x3d: {  	_ =	shalt  }
0x3e: {  	_ =	shalt  }
0x3f: {  	_ =	shalt  }
0x40: {  	_ =	shalt  }
0x41: {  	_ =	shalt  }
0x42: {  	_ =	shalt  }
0x43: {  	_ =	shalt  }
0x44: {  	_ =	shalt  }
0x45: {  	_ =	shalt  }
0x46: {  	_ =	shalt  }
0x47: {  	_ =	shalt  }
0x48: {  	_ =	shalt  }
0x49: {  	_ =	shalt  }
0x4a: {  	_ =	shalt  }
0x4b: {  	_ =	shalt  }
0x4c: {  	_ =	shalt  }
0x4d: {  	_ =	shalt  }
0x4e: {  	_ =	shalt  }
0x4f: {  	_ =	shalt  }
0x50: {  	_ =	shalt  }
0x51: {  	_ =	shalt  }
0x52: {  	_ =	shalt  }
0x53: {  	_ =	shalt  }
0x54: {  	_ =	shalt  }
0x55: {  	_ =	shalt  }
0x56: {  	_ =	shalt  }
0x57: {  	_ =	shalt  }
0x58: {  	_ =	shalt  }
0x59: {  	_ =	shalt  }
0x5a: {  	_ =	shalt  }
0x5b: {  	_ =	shalt  }
0x5c: {  	_ =	shalt  }
0x5d: {  	_ =	shalt  }
0x5e: {  	_ =	shalt  }
0x5f: {  	_ =	shalt  }
0x60: {  	_ =	shalt  }
0x61: {  	_ =	shalt  }
0x62: {  	_ =	shalt  }
0x63: {  	_ =	shalt  }
0x64: {  	_ =	shalt  }
0x65: {  	_ =	shalt  }
0x66: {  	_ =	shalt  }
0x67: {  	_ =	shalt  }
0x68: {  	_ =	shalt  }
0x69: {  	_ =	shalt  }
0x6a: {  	_ =	shalt  }
0x6b: {  	_ =	shalt  }
0x6c: {  	_ =	shalt  }
0x6d: {  	_ =	shalt  }
0x6e: {  	_ =	shalt  }
0x6f: {  	_ =	shalt  }
0x70: {  	_ =	shalt  }
0x71: {  	_ =	shalt  }
0x72: {  	_ =	shalt  }
0x73: {  	_ =	shalt  }
0x74: {  	_ =	shalt  }
0x75: {  	_ =	shalt  }
0x76: {  	_ =	shalt  }
0x77: {  	_ =	shalt  }
0x78: {  	_ =	shalt  }
0x79: {  	_ =	shalt  }
0x7a: {  	_ =	shalt  }
0x7b: {  	_ =	shalt  }
0x7c: {  	_ =	shalt  }
0x7d: {  	_ =	shalt  }
0x7e: {  	_ =	shalt  }
0x7f: {  	_ =	shalt  }
0x80: {  	_ =	shalt  }
0x81: {  	_ =	shalt  }
0x82: {  	_ =	shalt  }
0x83: {  	_ =	shalt  }
0x84: {  	_ =	shalt  }
0x85: {  	_ =	shalt  }
0x86: {  	_ =	shalt  }
0x87: {  	_ =	shalt  }
.Lfunc_end0:
.L_simem_size_0:
called_computation.3_lowered:
.L_overlay_start_0:
0x88: {  	s2 =	sld [smem:$0x3FD9]  }
0x89: {  	s3 =	sld [smem:$0x3FFE];
	_ =	sdelay $0x1  }
0x8a: {  	s1 =	srdreg.scid  }
0x8b: {  	s0 =	sand.u32 $0x1, s1  }
0x8c: {  	s17 =	sshll.u32 s0, $0xA;
	s2 =	sadd.s32 s3, s2  }
0x8d: {  	s2 =	sadd.s32 s2, s17  }
0x8e: {  	[smem:$0x3FAB] =	sst s2  }
0x8f: {  	_ = 	snop  }
0x90: {  	s2 =	sld [smem:$0x3FAD];
	(tm) =	ssettm $0x1  }
0x91: {  	s18 =	sld [smem:$0x3FFB];
	_ =	sdelay $0x3  }
0x92: {  	_ =	strace s18  }
0x93: {  	s3 =	sld [smem:$0x3FFC];
	_ =	sdelay $0x3  }
0x94: {  	_ =	strace s3  }
0x95: {  	s3 =	sld [smem:$0x3FFD];
	_ =	sdelay $0x3  }
0x96: {  	_ =	strace s3  }
0x97: {  	_ =	strace $0x8FFFFFFF  }
0x98: {  	s19 =	sld [smem:$0x3FDB];
	_ =	sdelay $0x1  }
0x99: {  	s4 =	simm.s32 $_scs_section_size  }
0x9a: {  	s5 =	simm.s32 $_size__tile_overlayer_lowered;
	s6 =	simm.s32 $_tile_overlayer_lowered  }
0x9b: {  	s22 =	simm.s32 $0x1BFF;
	s21 =	sshll.u32 s6, $0x1;
	s3 =	sadd.s32 s4, s19  }
0x9c: {  	s7 =	simm.s32 $0x0;
	s20 =	sshll.u32 s5, $0x1;
	s5 =	sadd.s32 s21, s3  }
0x9d: {  	[timem:s7], [sflag:s22] =	dma.local [hbm:s5], s20  }
0x9e: {  	_ =	swait.ge [sflag:s22], s20  }
0x9f: {  	s4 =	ssub.s32 $0x0, s20;
	[sflag:s22] =	ssyncset.done $0x0  }
0xa0: {  	[sflag:s22] =	ssyncadd.s32 s4;
	_ =	sdelay $0x1  }
0xa1: {  	s23 =	simm.s32 $0x1B8B  }
0xa2: {  	_ =	swait.ge [sflag:s23], $0x1  }
0xa3: {  	[sflag:s23] =	ssyncset.done $0x0  }
0xa4: {  	s25 =	simm.s32 $0x1B8E;
	s24 =	sld [smem:$0x3FFE];
	[sflag:s23] =	ssyncadd.s32 $0xFFFFFFFF  }
0xa5: {  	s26 =	simm.s32 $execute0_lowered;
	[smem:$0x3FD2] =	sst s25  }
0xa6: {  	s5 =	sshll.u32 s26, $0x1;
	_ =	strace $0x80000049;
	[dreg:$0x1] =	wrdreg $0xFFFFFFFF  }
0xa7: {  	s28 =	simm.s32 $_size_execute0_lowered;
	s3 =	sadd.s32 s3, s5;
	[dreg:$0x0] =	wrdreg $0x0  }
0xa8: {  	s5 =	sshll.u32 s28, $0x1;
	[dreg:$0x2] =	wrdreg s3  }
0xa9: {  	[dreg:$0x3] =	wrdreg s5  }
0xaa: {  	[dreg:$0x4] =	wrdreg $0xC0  }
0xab: {  	_ =	task [dreg:s7], $0x5FFFF  }
0xac: {  	[dreg:$0x1] =	wrdreg $0xFFFFFFFF  }
0xad: {  	[dreg:$0x0] =	wrdreg $0x60  }
0xae: {  	[dreg:$0x2] =	wrdreg s2  }
0xaf: {  	[dreg:$0x3] =	wrdreg s24  }
0xb0: {  	[dreg:$0x4] =	wrdreg $0x9  }
0xb1: {  	_ =	task.clear_ibuf [dreg:s7], $0x5FFFF;
	_ =	strace $0x90000049  }
0xb2: {  	s29 =	simm.s32 $0x9;
	_ =	strace $0x8000004B  }
0xb3: {  	_ =	swait.ge [sflag:s29], $0x1  }
0xb4: {  	[sflag:s29] =	ssyncadd.s32 $0xFFFFFFFF  }
0xb5: {  	_ =	strace $0x9000004B  }
0xb6: {  	_ =	sfence  }
0xb7: {  	s30 =	sld [smem:$0x0];
	_ =	sdelay $0x2  }
0xb8: {  	s31 =	sshll.u32 s1, $0xD;
	s1 =	sshrl.u32 s1, $0x2  }
0xb9: {  	s3 =	sand.u32 $0x4000, s31;
	s1 =	sadd.s32 s1, s30  }
0xba: {  	s0 =	sor.u32 s3, s0;
	s1 =	sshll.u32 s1, $0x11  }
0xbb: {  	s0 =	sor.u32 s1, s0  }
0xbc: {  	s0 =	sadd.s32 $0x8F2B, s0  }
0xbd: {  	[sflag:s0] =	ssyncadd.remote.s32 $0x1  }
0xbe: {  	_ =	sfence.sel $0xFFFF  }
0xbf: {  	[dreg:$0x0] =	wrdreg $0xFFFFFFFF;
	(pc) =	sbr.abs _section_cstart, $3  }
0xc0: {  	[dreg:$0x1] =	wrdreg $0xFFFFFFFF  }
0xc1: {  	_ =	task.clear_ibuf [dreg:s7], $0x2FFFF;
	_ =	strace $0x9FFFFFFF  }
0xc2: {  	(tm) =	ssettm $0x7FFFFFFF  }
0xc3: {  	_ =	shalt  }
tec
execute0_lowered:
.L_overlay_start_1:
0x0: {  	(tag) =	ssettag $0x1  }
0x1: {  	s2 =	rddreg [dreg:$0x0]  }
0x2: {  	s0 =	srdreg.scid;
	s7 =	rddreg [dreg:$0x1]  }
0x3: {  	s1 =	stileid.u32;
	s5 =	simm.s32 $0x2;
	s9 =	simm.s32 $0x3  }
0x4: {  	s3 =	sshll.u32 s0, $0x4;
	s0 =	rddreg [dreg:$0x2];
	_ =	strace $0x8000004A  }
.Ltmp0:
0x5: {  	s4 =	sand.u32 $0x10, s3;
	s3 =	simm.s32 $0x1;
	(pc) =	sbr.rel .LBB2_1-.Ltmp0, $4  }
0x6: {  	s11 =	simm.s32 $0x0;
	s4 =	sor.u32 s1, s4;
	[sflag:s3] =	ssyncpa.u1 $0x0  }
0x7: {  	p0 =	por $0x0, $0x0;
	s4 =	smul.u32 $0x280, s4;
	[sflag:s5] =	ssyncpa.u1 $0x0  }
0x8: {  	s6 =	sadd.s32 $0xC600, s7;
	s7 =	sadd.s32 $0xD000, s7;
	[sflag:s9] =	ssyncpa.u1 $0x0  }
0x9: {  	vm0 =	vmmov $0xff;
	vm1 =	vcmask $0x3F20;
	s9 =	simm.s32 $0x0;
	s8 =	sadd.s32 $0x280, s4;
	s10 =	smov.u32 s4  }
.LBB2_9:
0xa: {  	p1 =	slt.u32 s9, $0x2;
	s11 =	sadd.s32 $0x40, s10  }
0xb: {  	s13 =	smov.u32 s4;
	s9 =	sadd.s32 $0x1, s9;
	p2 =	slt.s32 s11, s8  }
0xc: {  	s13 =	smov.u32 @p2 s11;
	p2 =	sne.s32 s9, $0xC  }
.Ltmp1:
0xd: {  	_ = 	snop;
	(pc) =	sbr.rel @!p2 .LBB2_10-.Ltmp1, $4  }
0xe: {  	s12 =	simm.s32 @!p1 $0x3  }
0xf: {  	_ =	swait.ge @!p1 [sflag:s12], $0xC000  }
0x10: {  	p0 =	por !p0, !p0;
	[sflag:s12] =	ssyncset.done @!p1 $0x0  }
0x11: {  	s11 =	smov.u32 s10;
	s10 =	smov.u32 s13;
	[sflag:s12] =	ssyncadd.s32 @!p1 $0xFFFF4000  }
.LBB2_1:
0x12: {  	p1 =	sgt.u32 s9, $0x9  }
0x13: {  	s12 =	sxor.u32 @!p1 $0xFFFFFFFF, s9  }
0x14: {  	s31 =	sadd.s32 $0xFFFFFFFF, s9;
	s13 =	sshrl.u32 @!p1 s10, $0x3;
	s12 =	sshll.u32 @!p1 s12, $0x6  }
0x15: {  	s14 =	sand.u32 @!p1 $0x7, s10;
	s13 =	sadd.s32 @!p1 s6, s13;
	s12 =	sand.u32 @!p1 $0x40, s12  }
0x16: {  	[tilespmem:s12], [sflag:$0x2] =	stream.linear.gather @!p1 [hbm4b:s13+s14], $0x40, $0x38;
	[tilespmem:$0x18080] =	vst v63  }
0x17: {  	p1 =	sgt.u32 s31, $0x9  }
.Ltmp2:
0x18: {  	_ = 	snop;
	(pc) =	sbr.rel @p1 .LBB2_9-.Ltmp2, $1  }
0x19: {  	_ =	sdelay $0x3  }
0x1a: {  	s12 =	simm.s32 $0x1  }
0x1b: {  	s12 =	simm.s32 @!p0 $0x0  }
0x1c: {  	s12 =	smul.u32 $0x30000, s12;
	_ =	sdelay $0x1  }
0x1d: {  	_ =	swait.ge [sflag:s5], $0x40;
	s13 =	sand.u32 $0x1, s9;
	s12 =	sshrl.u32 s12, $0x2  }
0x1e: {  	s14 =	simm.s32 $0x0;
	[sflag:s5] =	ssyncset.done $0x0;
	s12 =	sor.u32 $0x80, s12  }
0x1f: {  	s13 =	sshll.u32 s13, $0x6;
	[sflag:s5] =	ssyncadd.s32 $0xFFFFFFC0;
	s15 =	smov.u32 s12  }
.LBB2_3:
0x20: {  	s16 =	sshll.u32 s14, $0x4  }
0x21: {  	s16 =	sand.u32 $0x3FFFFFF0, s16  }
0x22: {  	s16 =	sadd.s32 s16, s13  }
0x23: {  	v0 =	vld.msk [tilespmem:s16+$0x0 ss:$0x1], $0xffff;
	_ =	sdelay $0x4  }
0x24: {  	vm2 =	vgt.s32 v0, $0x0  }
0x25: {  	v0 =	vnsel vm2, $0x0, v0  }
0x26: {  	v0 =	vmin.u32 v0, $0x1869F  }
0x27: {  	v1 =	vshrl.u32 v0, $0x3  }
0x28: {  	v0 =	vshll.u32 v0, $0x7;
	v1 =	vmul.u32 $0x1800, v1  }
0x29: {  	v0 =	vand.u32 $0x380, v0  }
0x2a: {  	v0 =	vor.u32 v0, v1  }
0x2b: {  	v0 =	vshrl.u32 v0, $0x3;
	_ =	sdelay $0x3  }
0x2c: {  	s17 =	sadd.s32 $0x0, s15  }
0x2d: {  	[tilespmem:s17], [sflag:$0x1] =	stream.indirect_vreg.gather [hbm:s2], $0x80, v0, vm0, $0x38;
	[tilespmem:$0x18080] =	vst v63  }
0x2e: {  	s16 =	simm.s32 $0x1000;
	v1 =	vadd.s32 $0x80, v0;
	s17 =	sadd.s32 $0x1800, s17  }
.LBB2_4:
0x2f: {  	[tilespmem:s17], [sflag:$0x1] =	stream.indirect_vreg.gather [hbm:s2], $0x80, v0, vm1, $0x38;
	[tilespmem:$0x18080] =	vst v63  }
0x30: {  	v0 =	vmov v1;
	s17 =	smov.u32 s16;
	p1 =	sne.s32 s16, $0x5000  }
.Ltmp3:
0x31: {  	s16 =	sadd.s32 $0x1000, s16;
	(pc) =	sbr.rel @p1 .LBB2_4-.Ltmp3, $4  }
0x32: {  	s17 =	sshra.s32 s17, $0x2  }
0x33: {  	s17 =	sadd.s32 s17, s15  }
0x34: {  	[tilespmem:s17], [sflag:$0x1] =	stream.indirect_vreg.gather [hbm:s2], $0x80, v1, vm0, $0x38;
	[tilespmem:$0x18080] =	vst v63  }
0x35: {  	s17 =	sadd.s32 $0x1800, s17;
	v1 =	vadd.s32 $0x80, v1  }
0x36: {  	s14 =	sadd.s32 $0x1, s14  }
0x37: {  	p1 =	sne.s32 s14, $0x4  }
.Ltmp4:
0x38: {  	_ = 	snop;
	(pc) =	sbr.rel @p1 .LBB2_3-.Ltmp4, $3  }
0x39: {  	_ =	sdelay $0x1  }
0x3a: {  	[tilespmem:s17], [sflag:$0x1] =	stream.indirect_vreg.gather [hbm:s2], $0x80, v0, vm1, $0x38;
	[tilespmem:$0x18080] =	vst v63  }
0x3b: {  	s15 =	sadd.s32 $0x3000, s15  }
0x3c: {  	s13 =	sshrl.u32 s11, $0x3  }
0x3d: {  	s13 =	smul.u32 $0x300, s13  }
0x3e: {  	s31 =	sshll.u32 s11, $0x4  }
0x3f: {  	_ =	swait.ge [sflag:s3], $0xC000;
	s11 =	sand.u32 $0x70, s31;
	s13 =	sadd.s32 s13, s7  }
0x40: {  	s14 =	sadd.s32 $0x1800, s12;
	[sflag:s3] =	ssyncset.done $0x0;
	s11 =	sadd.s32 s11, s13  }
0x41: {  	[sflag:s3] =	ssyncadd.s32 $0xFFFF4000;
	s13 =	simm.s32 $0x300;
	s15 =	sadd.s32 $0x0, s11  }
.LBB2_7:
0x42: {  	[hbm:s15] =	stream.linear.scatter [tilespmem:s12], [sflag:$0x3], $0x1800, $0x38;
	[tilespmem:$0x18080] =	vst v63  }
0x43: {  	s15 =	smov.u32 s13;
	s12 =	smov.u32 s14;
	p1 =	sne.s32 s13, $0x1500  }
.Ltmp5:
0x44: {  	s13 =	sadd.s32 $0x300, s13;
	(pc) =	sbr.rel @p1 .LBB2_7-.Ltmp5, $2  }
0x45: {  	_ =	sdelay $0x2  }
0x46: {  	s14 =	sadd.s32 $0x1800, s14;
	s15 =	sadd.s32 s15, s11  }
.Ltmp6:
0x47: {  	(pc) =	sbr.rel .LBB2_9-.Ltmp6, $2  }
0x48: {  	_ =	sdelay $0x2  }
0x49: {  	[hbm:s15] =	stream.linear.scatter [tilespmem:s12], [sflag:$0x3], $0x1800, $0x38;
	[tilespmem:$0x18080] =	vst v63  }
.LBB2_10:
0x4a: {  	_ =	sfence.sel $0x180000  }
0x4b: {  	s2 =	simm.s32 $0x2;
	[bflag:$0x0] =	sbarrier.arrive $0xFFFF  }
0x4c: {  	s30 =	simm.s32 $0x3;
	[sflag:s2] =	ssyncpa.u1 $0x1  }
0x4d: {  	s31 =	simm.s32 $0x1;
	[sflag:s30] =	ssyncpa.u1 $0x1  }
0x4e: {  	[sflag:s31] =	ssyncpa.u1 $0x1  }
0x4f: {  	p0 =	sne.s32 s1, $0x0;
	_ =	strace $0x9000004A  }
0x50: {  	s0 =	sadd.s32 @!p0 $0x100000, s0;
	[bflag:$0x2] =	sbarrier.arrive $0xFFFF  }
0x51: {  	[sflag:s0] =	ssyncadd.tile.s32 @!p0 $0x1;
	_ =	shalt  }
.Lfunc_end2:
_tile_overlayer_lowered:
.L_overlay_start_2:
0x52: {  	(tag) =	ssettag $0x2  }
0x53: {  	s0 =	rddreg [dreg:$0x0];
	s2 =	stileid.u32  }
0x54: {  	s1 =	rddreg [dreg:$0x1];
	p0 =	sne.s32 s2, $0x0  }
0x55: {  	s3 =	rddreg [dreg:$0x2];
	[bflag:$0x3] =	sbarrier.arrive $0xFFFF;
	s2 =	simm.s32 @!p0 $0x1C01  }
0x56: {  	[timem:s3], [sflag:s2] =	dma.local @!p0 [hbm:s0], s1  }
0x57: {  	s0 =	simm.s32 @!p0 $0x1  }
0x58: {  	_ =	swait.ge @!p0 [sflag:s0], s1  }
0x59: {  	s1 =	ssub.s32 @!p0 $0x0, s1;
	[sflag:s0] =	ssyncset.done @!p0 $0x0  }
0x5a: {  	[sflag:s0] =	ssyncadd.s32 @!p0 s1  }
0x5b: {  	[bflag:$0x3] =	sbarrier.arrive $0xFFFF  }
0x5c: {  	_ =	shalt  }

// kernel: gather_offload_async_start.3
scs
__scs_entry_jumppad:
0x0: {  	(pc) =	sbr.rel $0x88, $3  }
0x1: {  	(tag) =	ssettag $0x0;
	lr =	simm.s32 $0x1  }
0x2: {  	[smem:$0x3F84] =	sst lr;
	_ =	strace $0xD0000000  }
0x3: {  	_ = 	snop  }
0x4: {  	_ = 	snop  }
0x5: {  	_ = 	snop  }
0x6: {  	_ = 	snop  }
0x7: {  	_ = 	snop  }
__scs_overlays_trampoline_lowered:
0x8: {  	[smem:$0x3F93] =	sst s0  }
0x9: {  	[smem:$0x3F94] =	sst s1  }
0xa: {  	[smem:$0x3F95] =	sst s2  }
0xb: {  	[smem:$0x3F96] =	sst s3  }
0xc: {  	[smem:$0x3F97] =	sst s4  }
0xd: {  	[smem:$0x3F98] =	sst s5  }
0xe: {  	[smem:$0x3F99] =	sst s6  }
0xf: {  	[smem:$0x3F9A] =	sst s7  }
0x10: {  	[smem:$0x3F9B] =	sst s8  }
0x11: {  	[smem:$0x3F9C] =	sst s9;
	s0 =	simm.s32 @!p0 $0x0  }
0x12: {  	s1 =	sld [smem:$0x3F82];
	s0 =	simm.s32 @p0 $0x1  }
0x13: {  	[smem:$0x3F9D] =	sst s0;
	s0 =	simm.s32 @!p1 $0x0  }
0x14: {  	s2 =	sld [smem:$0x3F81];
	s0 =	simm.s32 @p1 $0x1  }
0x15: {  	[smem:$0x3F9E] =	sst s0;
	s0 =	simm.s32 @!p2 $0x0  }
0x16: {  	s3 =	sld [smem:$0x3FDB];
	s0 =	simm.s32 @p2 $0x1  }
0x17: {  	s4 =	simm.s32 $0x1BF5;
	[smem:$0x3FA0] =	sst s0  }
0x18: {  	s0 =	sld [smem:$0x3F83];
	_ =	swait.ge [sflag:s4], $0x0  }
0x19: {  	s7 =	sld [smem:$0x3F84]  }
0x1a: {  	s8 =	sadd.s32 $0xFFFFE003, lr  }
0x1b: {  	s9 =	sadd.s32 $0xFFFFFEF7, lr;
	s5 =	simm.s32 $0xFFFFFFFF;
	p2 =	slt.u32 s8, $0xFFFFF086  }
0x1c: {  	p1 =	slt.u32 s9, $0xF7A;
	s5 =	simm.s32 @!p2 $0x0  }
0x1d: {  	s5 =	simm.s32 @p1 $0x1;
	p0 =	seq.s32 s7, s2  }
0x1e: {  	s7 =	smul.u32 @!p0 $0xF7A, s2;
	p2 =	seq.s32 @!p0 s5, $0x0  }
0x1f: {  	s9 =	smul.u32 $0xF7A, s1;
	s8 =	simm.s32 @!p0 $0x1BF5;
	p2 =	por !p2, p0  }
0x20: {  	[sflag:s8] =	ssyncset.s32 @!p0 $0xFFFFF086;
	s6 =	sadd.s32 @!p0 s3, s7;
	s7 =	simm.s32 @!p0 $0x108  }
0x21: {  	s3 =	sadd.s32 s3, s9;
	s6 =	sadd.s32 @!p0 $0x88, s6;
	s7 =	simm.s32 @p2 $0x1082  }
0x22: {  	[simem:s7], [sflag:s8] =	dma.local @!p0 [hbm:s6], $0xF7A  }
0x23: {  	s9 =	sor.u32 $0xD0000000, s2;
	s6 =	simm.s32 $0x108;
	_ =	swait.ge @!p0 [sflag:s8], $0x0  }
0x24: {  	s3 =	sadd.s32 $0x88, s3;
	s6 =	simm.s32 @!p1 $0x1082;
	[sflag:s4] =	ssyncset.s32 $0xFFFFF086  }
0x25: {  	[simem:s6], [sflag:s4] =	dma.local [hbm:s3], $0xF7A  }
0x26: {  	[smem:$0x3F84] =	sst s1;
	(tag) =	ssettag s2;
	_ =	strace s9  }
0x27: {  	s1 =	sld [smem:$0x3F94]  }
0x28: {  	s2 =	sld [smem:$0x3F95]  }
0x29: {  	s4 =	sld [smem:$0x3F97]  }
0x2a: {  	p0 =	seq.s32 s5, $0x0;
	s5 =	sld [smem:$0x3F98]  }
0x2b: {  	s6 =	sld [smem:$0x3F99]  }
0x2c: {  	s7 =	sld [smem:$0x3F9A]  }
0x2d: {  	s3 =	simm.s32 $0x108;
	s8 =	sld [smem:$0x3F9B]  }
0x2e: {  	s3 =	simm.s32 @!p0 $0x1082;
	s9 =	sld [smem:$0x3F9C]  }
0x2f: {  	lr =	sadd.s32 s0, s3;
	s0 =	sld [smem:$0x3F93]  }
0x30: {  	s3 =	sld [smem:$0x3F96]  }
0x31: {  	[smem:$0x3F9F] =	sst s10  }
0x32: {  	s10 =	sld [smem:$0x3F9D];
	_ =	sdelay $0x3  }
0x33: {  	p0 =	seq.s32 s10, $0x1;
	s10 =	sld [smem:$0x3F9F];
	_ =	sdelay $0x3  }
0x34: {  	[smem:$0x3F9F] =	sst s10  }
0x35: {  	s10 =	sld [smem:$0x3F9E];
	_ =	sdelay $0x3  }
0x36: {  	p1 =	seq.s32 s10, $0x1;
	s10 =	sld [smem:$0x3F9F];
	_ =	sdelay $0x3  }
0x37: {  	[smem:$0x3F9F] =	sst s10  }
0x38: {  	s10 =	sld [smem:$0x3FA0]  }
0x39: {  	_ = 	snop;
	(pc) =	sbr.ind lr, $3  }
0x3a: {  	_ = 	snop  }
0x3b: {  	_ = 	snop  }
0x3c: {  	p2 =	seq.s32 s10, $0x1;
	s10 =	sld [smem:$0x3F9F]  }
0x3d: {  	_ =	shalt  }
0x3e: {  	_ =	shalt  }
0x3f: {  	_ =	shalt  }
0x40: {  	_ =	shalt  }
0x41: {  	_ =	shalt  }
0x42: {  	_ =	shalt  }
0x43: {  	_ =	shalt  }
0x44: {  	_ =	shalt  }
0x45: {  	_ =	shalt  }
0x46: {  	_ =	shalt  }
0x47: {  	_ =	shalt  }
0x48: {  	_ =	shalt  }
0x49: {  	_ =	shalt  }
0x4a: {  	_ =	shalt  }
0x4b: {  	_ =	shalt  }
0x4c: {  	_ =	shalt  }
0x4d: {  	_ =	shalt  }
0x4e: {  	_ =	shalt  }
0x4f: {  	_ =	shalt  }
0x50: {  	_ =	shalt  }
0x51: {  	_ =	shalt  }
0x52: {  	_ =	shalt  }
0x53: {  	_ =	shalt  }
0x54: {  	_ =	shalt  }
0x55: {  	_ =	shalt  }
0x56: {  	_ =	shalt  }
0x57: {  	_ =	shalt  }
0x58: {  	_ =	shalt  }
0x59: {  	_ =	shalt  }
0x5a: {  	_ =	shalt  }
0x5b: {  	_ =	shalt  }
0x5c: {  	_ =	shalt  }
0x5d: {  	_ =	shalt  }
0x5e: {  	_ =	shalt  }
0x5f: {  	_ =	shalt  }
0x60: {  	_ =	shalt  }
0x61: {  	_ =	shalt  }
0x62: {  	_ =	shalt  }
0x63: {  	_ =	shalt  }
0x64: {  	_ =	shalt  }
0x65: {  	_ =	shalt  }
0x66: {  	_ =	shalt  }
0x67: {  	_ =	shalt  }
0x68: {  	_ =	shalt  }
0x69: {  	_ =	shalt  }
0x6a: {  	_ =	shalt  }
0x6b: {  	_ =	shalt  }
0x6c: {  	_ =	shalt  }
0x6d: {  	_ =	shalt  }
0x6e: {  	_ =	shalt  }
0x6f: {  	_ =	shalt  }
0x70: {  	_ =	shalt  }
0x71: {  	_ =	shalt  }
0x72: {  	_ =	shalt  }
0x73: {  	_ =	shalt  }
0x74: {  	_ =	shalt  }
0x75: {  	_ =	shalt  }
0x76: {  	_ =	shalt  }
0x77: {  	_ =	shalt  }
0x78: {  	_ =	shalt  }
0x79: {  	_ =	shalt  }
0x7a: {  	_ =	shalt  }
0x7b: {  	_ =	shalt  }
0x7c: {  	_ =	shalt  }
0x7d: {  	_ =	shalt  }
0x7e: {  	_ =	shalt  }
0x7f: {  	_ =	shalt  }
0x80: {  	_ =	shalt  }
0x81: {  	_ =	shalt  }
0x82: {  	_ =	shalt  }
0x83: {  	_ =	shalt  }
0x84: {  	_ =	shalt  }
0x85: {  	_ =	shalt  }
0x86: {  	_ =	shalt  }
0x87: {  	_ =	shalt  }
.Lfunc_end0:
.L_simem_size_0:
called_computation.4_lowered:
.L_overlay_start_0:
0x88: {  	s2 =	sld [smem:$0x3FD9]  }
0x89: {  	s3 =	sld [smem:$0x3FFE];
	_ =	sdelay $0x1  }
0x8a: {  	s1 =	srdreg.scid  }
0x8b: {  	s0 =	sand.u32 $0x1, s1  }
0x8c: {  	s17 =	sshll.u32 s0, $0xA;
	s2 =	sadd.s32 s3, s2  }
0x8d: {  	s2 =	sadd.s32 s2, s17  }
0x8e: {  	[smem:$0x3FAB] =	sst s2  }
0x8f: {  	_ = 	snop  }
0x90: {  	(tm) =	ssettm $0x1  }
0x91: {  	s18 =	sld [smem:$0x3FFB];
	_ =	sdelay $0x3  }
0x92: {  	_ =	strace s18  }
0x93: {  	s2 =	sld [smem:$0x3FFC];
	_ =	sdelay $0x3  }
0x94: {  	_ =	strace s2  }
0x95: {  	s2 =	sld [smem:$0x3FFD];
	_ =	sdelay $0x3  }
0x96: {  	_ =	strace s2  }
0x97: {  	_ =	strace $0x8FFFFFFF  }
0x98: {  	s19 =	sld [smem:$0x3FDB];
	_ =	sdelay $0x1  }
0x99: {  	s20 =	simm.s32 $_scs_section_size  }
0x9a: {  	s4 =	simm.s32 $_size__tile_overlayer_lowered;
	s5 =	simm.s32 $_tile_overlayer_lowered  }
0x9b: {  	s6 =	simm.s32 $0x1BFF;
	s21 =	sshll.u32 s5, $0x1;
	s3 =	sadd.s32 s20, s19  }
0x9c: {  	s22 =	simm.s32 $0x0;
	s4 =	sshll.u32 s4, $0x1;
	s5 =	sadd.s32 s21, s3  }
0x9d: {  	[timem:s22], [sflag:s6] =	dma.local [hbm:s5], s4  }
0x9e: {  	_ =	swait.ge [sflag:s6], s4  }
0x9f: {  	s4 =	ssub.s32 $0x0, s4;
	[sflag:s6] =	ssyncset.done $0x0  }
0xa0: {  	[sflag:s6] =	ssyncadd.s32 s4;
	_ =	sdelay $0x1  }
0xa1: {  	s23 =	simm.s32 $0x1B8B  }
0xa2: {  	_ =	swait.ge [sflag:s23], $0x1  }
0xa3: {  	[sflag:s23] =	ssyncset.done $0x0  }
0xa4: {  	[sflag:s23] =	ssyncadd.s32 $0xFFFFFFFF  }
0xa5: {  	s4 =	sld [smem:$0x0]  }
0xa6: {  	s5 =	sand.u32 $0xFFFFFFFE, s1  }
0xa7: {  	p0 =	sne.s32 s1, s5  }
0xa8: {  	s5 =	sshll.u32 @p0 s5, $0xE  }
0xa9: {  	s5 =	sadd.s32 @p0 $0x11B8D, s5;
	s6 =	sshll.u32 @p0 s4, $0x11  }
0xaa: {  	s5 =	sor.u32 @p0 s6, s5  }
0xab: {  	[sflag:s5] =	ssyncadd.remote.s32 @p0 $0x1;
	_ =	sdelay $0x1  }
0xac: {  	s5 =	simm.s32 @p0 $0x1B8D  }
0xad: {  	_ =	swait.eq @p0 [sflag:s5], $0x1  }
0xae: {  	[sflag:s5] =	ssyncadd.s32 @p0 $0xFFFFFFFF  }
0xaf: {  	s6 =	sshll.u32 @!p0 s1, $0xE  }
0xb0: {  	s6 =	sor.u32 @!p0 $0x4000, s6;
	s5 =	simm.s32 @!p0 $0x1B8D  }
0xb1: {  	s4 =	sshll.u32 @!p0 s4, $0x11;
	s6 =	sadd.s32 @!p0 $0x11B8D, s6;
	_ =	swait.eq @!p0 [sflag:s5], $0x1  }
0xb2: {  	s4 =	sor.u32 @!p0 s4, s6;
	[sflag:s5] =	ssyncadd.s32 @!p0 $0xFFFFFFFF  }
0xb3: {  	s25 =	simm.s32 $0x1B8E;
	s24 =	sld [smem:$0x3FFE];
	[sflag:s4] =	ssyncadd.remote.s32 @!p0 $0x1  }
0xb4: {  	s26 =	simm.s32 $execute0_lowered;
	[smem:$0x3FD2] =	sst s25  }
0xb5: {  	s5 =	sshll.u32 s26, $0x1;
	_ =	strace $0x8000004F;
	[dreg:$0x1] =	wrdreg $0xFFFFFFFF  }
0xb6: {  	s28 =	simm.s32 $_size_execute0_lowered;
	s3 =	sadd.s32 s3, s5;
	[dreg:$0x0] =	wrdreg $0x0  }
0xb7: {  	s5 =	sshll.u32 s28, $0x1;
	[dreg:$0x2] =	wrdreg s3  }
0xb8: {  	[dreg:$0x3] =	wrdreg s5  }
0xb9: {  	[dreg:$0x4] =	wrdreg $0xC0  }
0xba: {  	_ =	task [dreg:s22], $0x5FFFF  }
0xbb: {  	[dreg:$0x1] =	wrdreg $0xFFFFFFFF  }
0xbc: {  	[dreg:$0x0] =	wrdreg $0x60  }
0xbd: {  	[dreg:$0x2] =	wrdreg s24  }
0xbe: {  	[dreg:$0x3] =	wrdreg $0x9  }
0xbf: {  	_ =	task.clear_ibuf [dreg:s22], $0x4FFFF;
	_ =	strace $0x9000004F  }
0xc0: {  	s29 =	simm.s32 $0x9;
	_ =	strace $0x80000051  }
0xc1: {  	_ =	swait.ge [sflag:s29], $0x1  }
0xc2: {  	[sflag:s29] =	ssyncadd.s32 $0xFFFFFFFF  }
0xc3: {  	_ =	strace $0x90000051  }
0xc4: {  	_ =	sfence  }
0xc5: {  	s30 =	sld [smem:$0x0];
	_ =	sdelay $0x2  }
0xc6: {  	s31 =	sshll.u32 s1, $0xD;
	s1 =	sshrl.u32 s1, $0x2  }
0xc7: {  	s4 =	sand.u32 $0x4000, s31;
	s1 =	sadd.s32 s1, s30  }
0xc8: {  	s0 =	sor.u32 s4, s0;
	s1 =	sshll.u32 s1, $0x11  }
0xc9: {  	s0 =	sor.u32 s1, s0  }
0xca: {  	s0 =	sadd.s32 $0x8F2B, s0  }
0xcb: {  	[sflag:s0] =	ssyncadd.remote.s32 $0x1  }
0xcc: {  	_ =	sfence.sel $0xFFFF  }
0xcd: {  	[dreg:$0x0] =	wrdreg $0xFFFFFFFF;
	(pc) =	sbr.abs _section_cstart, $3  }
0xce: {  	[dreg:$0x1] =	wrdreg $0xFFFFFFFF  }
0xcf: {  	_ =	task.clear_ibuf [dreg:s22], $0x2FFFF;
	_ =	strace $0x9FFFFFFF  }
0xd0: {  	(tm) =	ssettm $0x7FFFFFFF  }
0xd1: {  	_ =	shalt  }
tec
execute0_lowered:
.L_overlay_start_1:
0x0: {  	(tag) =	ssettag $0x1  }
0x1: {  	s7 =	rddreg [dreg:$0x0]  }
0x2: {  	s1 =	srdreg.scid;
	s0 =	rddreg [dreg:$0x1]  }
0x3: {  	_ =	strace $0x80000050;
	s3 =	simm.s32 $0x1;
	s5 =	simm.s32 $0x2  }
0x4: {  	s9 =	simm.s32 $0x3;
	s11 =	simm.s32 $0x0;
	s2 =	sshll.u32 s1, $0x4  }
.Ltmp0:
0x5: {  	s1 =	stileid.u32;
	s4 =	sand.u32 $0x10, s2;
	(pc) =	sbr.rel .LBB2_1-.Ltmp0, $4  }
0x6: {  	p0 =	por $0x0, $0x0;
	[sflag:s3] =	ssyncpa.u1 $0x0;
	s4 =	sor.u32 s1, s4  }
0x7: {  	s6 =	sadd.s32 $0x1ED000, s7;
	[sflag:s5] =	ssyncpa.u1 $0x0;
	s4 =	smul.u32 $0x280, s4  }
0x8: {  	s2 =	sadd.s32 $0xD000, s7;
	s7 =	sadd.s32 $0x1EE400, s7;
	[sflag:s9] =	ssyncpa.u1 $0x0  }
0x9: {  	vm0 =	vmmov $0xff;
	vm1 =	vcmask $0x3F20;
	s9 =	simm.s32 $0x0;
	s8 =	sadd.s32 $0x280, s4;
	s10 =	smov.u32 s4  }
.LBB2_9:
0xa: {  	p1 =	slt.u32 s9, $0x2;
	s11 =	sadd.s32 $0x40, s10  }
0xb: {  	s13 =	smov.u32 s4;
	s9 =	sadd.s32 $0x1, s9;
	p2 =	slt.s32 s11, s8  }
0xc: {  	s13 =	smov.u32 @p2 s11;
	p2 =	sne.s32 s9, $0xC  }
.Ltmp1:
0xd: {  	_ = 	snop;
	(pc) =	sbr.rel @!p2 .LBB2_10-.Ltmp1, $4  }
0xe: {  	s12 =	simm.s32 @!p1 $0x3  }
0xf: {  	_ =	swait.ge @!p1 [sflag:s12], $0xC000  }
0x10: {  	p0 =	por !p0, !p0;
	[sflag:s12] =	ssyncset.done @!p1 $0x0  }
0x11: {  	s11 =	smov.u32 s10;
	s10 =	smov.u32 s13;
	[sflag:s12] =	ssyncadd.s32 @!p1 $0xFFFF4000  }
.LBB2_1:
0x12: {  	p1 =	sgt.u32 s9, $0x9  }
0x13: {  	s12 =	sxor.u32 @!p1 $0xFFFFFFFF, s9  }
0x14: {  	s31 =	sadd.s32 $0xFFFFFFFF, s9;
	s13 =	sshrl.u32 @!p1 s10, $0x3;
	s12 =	sshll.u32 @!p1 s12, $0x6  }
0x15: {  	s14 =	sand.u32 @!p1 $0x7, s10;
	s13 =	sadd.s32 @!p1 s6, s13;
	s12 =	sand.u32 @!p1 $0x40, s12  }
0x16: {  	[tilespmem:s12], [sflag:$0x2] =	stream.linear.gather @!p1 [hbm4b:s13+s14], $0x40, $0x38;
	[tilespmem:$0x18080] =	vst v63  }
0x17: {  	p1 =	sgt.u32 s31, $0x9  }
.Ltmp2:
0x18: {  	_ = 	snop;
	(pc) =	sbr.rel @p1 .LBB2_9-.Ltmp2, $1  }
0x19: {  	_ =	sdelay $0x3  }
0x1a: {  	s12 =	simm.s32 $0x1  }
0x1b: {  	s12 =	simm.s32 @!p0 $0x0  }
0x1c: {  	s12 =	smul.u32 $0x30000, s12;
	_ =	sdelay $0x1  }
0x1d: {  	_ =	swait.ge [sflag:s5], $0x40;
	s13 =	sand.u32 $0x1, s9;
	s12 =	sshrl.u32 s12, $0x2  }
0x1e: {  	s14 =	simm.s32 $0x0;
	[sflag:s5] =	ssyncset.done $0x0;
	s12 =	sor.u32 $0x80, s12  }
0x1f: {  	s13 =	sshll.u32 s13, $0x6;
	[sflag:s5] =	ssyncadd.s32 $0xFFFFFFC0;
	s15 =	smov.u32 s12  }
.LBB2_3:
0x20: {  	s16 =	sshll.u32 s14, $0x4  }
0x21: {  	s16 =	sand.u32 $0x3FFFFFF0, s16  }
0x22: {  	s16 =	sadd.s32 s16, s13  }
0x23: {  	v0 =	vld.msk [tilespmem:s16+$0x0 ss:$0x1], $0xffff;
	_ =	sdelay $0x4  }
0x24: {  	v1 =	vshrl.u32 v0, $0x8  }
0x25: {  	vm2 =	veq.s32 v0, $0x80000000;
	v1 =	vand.u32 $0x7F, v1  }
0x26: {  	v0 =	vand.u32 $0xFF, v0;
	v1 =	vsel vm2, $0xFFFFFFFF, v1  }
0x27: {  	v0 =	vmul.u32 $0xF000, v0;
	v2 =	vshrl.u32 v1, $0x3  }
0x28: {  	v2 =	vmul.u32 $0x1800, v2  }
0x29: {  	v0 =	vsel vm2, $0xFFFF1000, v0;
	v1 =	vshll.u32 v1, $0x7  }
0x2a: {  	v1 =	vand.u32 $0x380, v1;
	v0 =	vadd.s32 v0, v2  }
0x2b: {  	v0 =	vor.u32 v1, v0  }
0x2c: {  	v0 =	vshrl.u32 v0, $0x3;
	_ =	sdelay $0x3  }
0x2d: {  	s17 =	sadd.s32 $0x0, s15  }
0x2e: {  	[tilespmem:s17], [sflag:$0x1] =	stream.indirect_vreg.gather [hbm:s2], $0x80, v0, vm0, $0x38;
	[tilespmem:$0x18080] =	vst v63  }
0x2f: {  	s16 =	simm.s32 $0x1000;
	v1 =	vadd.s32 $0x80, v0;
	s17 =	sadd.s32 $0x1800, s17  }
.LBB2_4:
0x30: {  	[tilespmem:s17], [sflag:$0x1] =	stream.indirect_vreg.gather [hbm:s2], $0x80, v0, vm1, $0x38;
	[tilespmem:$0x18080] =	vst v63  }
0x31: {  	v0 =	vmov v1;
	s17 =	smov.u32 s16;
	p1 =	sne.s32 s16, $0x5000  }
.Ltmp3:
0x32: {  	s16 =	sadd.s32 $0x1000, s16;
	(pc) =	sbr.rel @p1 .LBB2_4-.Ltmp3, $4  }
0x33: {  	s17 =	sshra.s32 s17, $0x2  }
0x34: {  	s17 =	sadd.s32 s17, s15  }
0x35: {  	[tilespmem:s17], [sflag:$0x1] =	stream.indirect_vreg.gather [hbm:s2], $0x80, v1, vm0, $0x38;
	[tilespmem:$0x18080] =	vst v63  }
0x36: {  	s17 =	sadd.s32 $0x1800, s17;
	v1 =	vadd.s32 $0x80, v1  }
0x37: {  	s14 =	sadd.s32 $0x1, s14  }
0x38: {  	p1 =	sne.s32 s14, $0x4  }
.Ltmp4:
0x39: {  	_ = 	snop;
	(pc) =	sbr.rel @p1 .LBB2_3-.Ltmp4, $3  }
0x3a: {  	_ =	sdelay $0x1  }
0x3b: {  	[tilespmem:s17], [sflag:$0x1] =	stream.indirect_vreg.gather [hbm:s2], $0x80, v0, vm1, $0x38;
	[tilespmem:$0x18080] =	vst v63  }
0x3c: {  	s15 =	sadd.s32 $0x3000, s15  }
0x3d: {  	s13 =	sshrl.u32 s11, $0x3  }
0x3e: {  	s13 =	smul.u32 $0x300, s13  }
0x3f: {  	s31 =	sshll.u32 s11, $0x4  }
0x40: {  	_ =	swait.ge [sflag:s3], $0xC000;
	s11 =	sand.u32 $0x70, s31;
	s13 =	sadd.s32 s13, s7  }
0x41: {  	s14 =	sadd.s32 $0x1800, s12;
	[sflag:s3] =	ssyncset.done $0x0;
	s11 =	sadd.s32 s11, s13  }
0x42: {  	[sflag:s3] =	ssyncadd.s32 $0xFFFF4000;
	s13 =	simm.s32 $0x300;
	s15 =	sadd.s32 $0x0, s11  }
.LBB2_7:
0x43: {  	[hbm:s15] =	stream.linear.scatter [tilespmem:s12], [sflag:$0x3], $0x1800, $0x38;
	[tilespmem:$0x18080] =	vst v63  }
0x44: {  	s15 =	smov.u32 s13;
	s12 =	smov.u32 s14;
	p1 =	sne.s32 s13, $0x1500  }
.Ltmp5:
0x45: {  	s13 =	sadd.s32 $0x300, s13;
	(pc) =	sbr.rel @p1 .LBB2_7-.Ltmp5, $2  }
0x46: {  	_ =	sdelay $0x2  }
0x47: {  	s14 =	sadd.s32 $0x1800, s14;
	s15 =	sadd.s32 s15, s11  }
.Ltmp6:
0x48: {  	(pc) =	sbr.rel .LBB2_9-.Ltmp6, $2  }
0x49: {  	_ =	sdelay $0x2  }
0x4a: {  	[hbm:s15] =	stream.linear.scatter [tilespmem:s12], [sflag:$0x3], $0x1800, $0x38;
	[tilespmem:$0x18080] =	vst v63  }
.LBB2_10:
0x4b: {  	_ =	sfence.sel $0x180000  }
0x4c: {  	s2 =	simm.s32 $0x2;
	[bflag:$0x0] =	sbarrier.arrive $0xFFFF  }
0x4d: {  	s30 =	simm.s32 $0x3;
	[sflag:s2] =	ssyncpa.u1 $0x1  }
0x4e: {  	s31 =	simm.s32 $0x1;
	[sflag:s30] =	ssyncpa.u1 $0x1  }
0x4f: {  	[sflag:s31] =	ssyncpa.u1 $0x1  }
0x50: {  	p0 =	sne.s32 s1, $0x0;
	_ =	strace $0x90000050  }
0x51: {  	s0 =	sadd.s32 @!p0 $0x100000, s0;
	[bflag:$0x2] =	sbarrier.arrive $0xFFFF  }
0x52: {  	[sflag:s0] =	ssyncadd.tile.s32 @!p0 $0x1;
	_ =	shalt  }
.Lfunc_end2:
_tile_overlayer_lowered:
.L_overlay_start_2:
0x53: {  	(tag) =	ssettag $0x2  }
0x54: {  	s0 =	rddreg [dreg:$0x0];
	s2 =	stileid.u32  }
0x55: {  	s1 =	rddreg [dreg:$0x1];
	p0 =	sne.s32 s2, $0x0  }
0x56: {  	s3 =	rddreg [dreg:$0x2];
	[bflag:$0x3] =	sbarrier.arrive $0xFFFF;
	s2 =	simm.s32 @!p0 $0x1C01  }
0x57: {  	[timem:s3], [sflag:s2] =	dma.local @!p0 [hbm:s0], s1  }
0x58: {  	s0 =	simm.s32 @!p0 $0x1  }
0x59: {  	_ =	swait.ge @!p0 [sflag:s0], s1  }
0x5a: {  	s1 =	ssub.s32 @!p0 $0x0, s1;
	[sflag:s0] =	ssyncset.done @!p0 $0x0  }
0x5b: {  	[sflag:s0] =	ssyncadd.s32 @!p0 s1  }
0x5c: {  	[bflag:$0x3] =	sbarrier.arrive $0xFFFF  }
0x5d: {  	_ =	shalt  }

// kernel: gather_offload_async_start.4
scs
__scs_entry_jumppad:
0x0: {  	(pc) =	sbr.rel $0x88, $3  }
0x1: {  	(tag) =	ssettag $0x0;
	lr =	simm.s32 $0x1  }
0x2: {  	[smem:$0x3F84] =	sst lr;
	_ =	strace $0xD0000000  }
0x3: {  	_ = 	snop  }
0x4: {  	_ = 	snop  }
0x5: {  	_ = 	snop  }
0x6: {  	_ = 	snop  }
0x7: {  	_ = 	snop  }
__scs_overlays_trampoline_lowered:
0x8: {  	[smem:$0x3F93] =	sst s0  }
0x9: {  	[smem:$0x3F94] =	sst s1  }
0xa: {  	[smem:$0x3F95] =	sst s2  }
0xb: {  	[smem:$0x3F96] =	sst s3  }
0xc: {  	[smem:$0x3F97] =	sst s4  }
0xd: {  	[smem:$0x3F98] =	sst s5  }
0xe: {  	[smem:$0x3F99] =	sst s6  }
0xf: {  	[smem:$0x3F9A] =	sst s7  }
0x10: {  	[smem:$0x3F9B] =	sst s8  }
0x11: {  	[smem:$0x3F9C] =	sst s9;
	s0 =	simm.s32 @!p0 $0x0  }
0x12: {  	s1 =	sld [smem:$0x3F82];
	s0 =	simm.s32 @p0 $0x1  }
0x13: {  	[smem:$0x3F9D] =	sst s0;
	s0 =	simm.s32 @!p1 $0x0  }
0x14: {  	s2 =	sld [smem:$0x3F81];
	s0 =	simm.s32 @p1 $0x1  }
0x15: {  	[smem:$0x3F9E] =	sst s0;
	s0 =	simm.s32 @!p2 $0x0  }
0x16: {  	s3 =	sld [smem:$0x3FDB];
	s0 =	simm.s32 @p2 $0x1  }
0x17: {  	s4 =	simm.s32 $0x1BF5;
	[smem:$0x3FA0] =	sst s0  }
0x18: {  	s0 =	sld [smem:$0x3F83];
	_ =	swait.ge [sflag:s4], $0x0  }
0x19: {  	s7 =	sld [smem:$0x3F84]  }
0x1a: {  	s8 =	sadd.s32 $0xFFFFE003, lr  }
0x1b: {  	s9 =	sadd.s32 $0xFFFFFEF7, lr;
	s5 =	simm.s32 $0xFFFFFFFF;
	p2 =	slt.u32 s8, $0xFFFFF086  }
0x1c: {  	p1 =	slt.u32 s9, $0xF7A;
	s5 =	simm.s32 @!p2 $0x0  }
0x1d: {  	s5 =	simm.s32 @p1 $0x1;
	p0 =	seq.s32 s7, s2  }
0x1e: {  	s7 =	smul.u32 @!p0 $0xF7A, s2;
	p2 =	seq.s32 @!p0 s5, $0x0  }
0x1f: {  	s9 =	smul.u32 $0xF7A, s1;
	s8 =	simm.s32 @!p0 $0x1BF5;
	p2 =	por !p2, p0  }
0x20: {  	[sflag:s8] =	ssyncset.s32 @!p0 $0xFFFFF086;
	s6 =	sadd.s32 @!p0 s3, s7;
	s7 =	simm.s32 @!p0 $0x108  }
0x21: {  	s3 =	sadd.s32 s3, s9;
	s6 =	sadd.s32 @!p0 $0x88, s6;
	s7 =	simm.s32 @p2 $0x1082  }
0x22: {  	[simem:s7], [sflag:s8] =	dma.local @!p0 [hbm:s6], $0xF7A  }
0x23: {  	s9 =	sor.u32 $0xD0000000, s2;
	s6 =	simm.s32 $0x108;
	_ =	swait.ge @!p0 [sflag:s8], $0x0  }
0x24: {  	s3 =	sadd.s32 $0x88, s3;
	s6 =	simm.s32 @!p1 $0x1082;
	[sflag:s4] =	ssyncset.s32 $0xFFFFF086  }
0x25: {  	[simem:s6], [sflag:s4] =	dma.local [hbm:s3], $0xF7A  }
0x26: {  	[smem:$0x3F84] =	sst s1;
	(tag) =	ssettag s2;
	_ =	strace s9  }
0x27: {  	s1 =	sld [smem:$0x3F94]  }
0x28: {  	s2 =	sld [smem:$0x3F95]  }
0x29: {  	s4 =	sld [smem:$0x3F97]  }
0x2a: {  	p0 =	seq.s32 s5, $0x0;
	s5 =	sld [smem:$0x3F98]  }
0x2b: {  	s6 =	sld [smem:$0x3F99]  }
0x2c: {  	s7 =	sld [smem:$0x3F9A]  }
0x2d: {  	s3 =	simm.s32 $0x108;
	s8 =	sld [smem:$0x3F9B]  }
0x2e: {  	s3 =	simm.s32 @!p0 $0x1082;
	s9 =	sld [smem:$0x3F9C]  }
0x2f: {  	lr =	sadd.s32 s0, s3;
	s0 =	sld [smem:$0x3F93]  }
0x30: {  	s3 =	sld [smem:$0x3F96]  }
0x31: {  	[smem:$0x3F9F] =	sst s10  }
0x32: {  	s10 =	sld [smem:$0x3F9D];
	_ =	sdelay $0x3  }
0x33: {  	p0 =	seq.s32 s10, $0x1;
	s10 =	sld [smem:$0x3F9F];
	_ =	sdelay $0x3  }
0x34: {  	[smem:$0x3F9F] =	sst s10  }
0x35: {  	s10 =	sld [smem:$0x3F9E];
	_ =	sdelay $0x3  }
0x36: {  	p1 =	seq.s32 s10, $0x1;
	s10 =	sld [smem:$0x3F9F];
	_ =	sdelay $0x3  }
0x37: {  	[smem:$0x3F9F] =	sst s10  }
0x38: {  	s10 =	sld [smem:$0x3FA0]  }
0x39: {  	_ = 	snop;
	(pc) =	sbr.ind lr, $3  }
0x3a: {  	_ = 	snop  }
0x3b: {  	_ = 	snop  }
0x3c: {  	p2 =	seq.s32 s10, $0x1;
	s10 =	sld [smem:$0x3F9F]  }
0x3d: {  	_ =	shalt  }
0x3e: {  	_ =	shalt  }
0x3f: {  	_ =	shalt  }
0x40: {  	_ =	shalt  }
0x41: {  	_ =	shalt  }
0x42: {  	_ =	shalt  }
0x43: {  	_ =	shalt  }
0x44: {  	_ =	shalt  }
0x45: {  	_ =	shalt  }
0x46: {  	_ =	shalt  }
0x47: {  	_ =	shalt  }
0x48: {  	_ =	shalt  }
0x49: {  	_ =	shalt  }
0x4a: {  	_ =	shalt  }
0x4b: {  	_ =	shalt  }
0x4c: {  	_ =	shalt  }
0x4d: {  	_ =	shalt  }
0x4e: {  	_ =	shalt  }
0x4f: {  	_ =	shalt  }
0x50: {  	_ =	shalt  }
0x51: {  	_ =	shalt  }
0x52: {  	_ =	shalt  }
0x53: {  	_ =	shalt  }
0x54: {  	_ =	shalt  }
0x55: {  	_ =	shalt  }
0x56: {  	_ =	shalt  }
0x57: {  	_ =	shalt  }
0x58: {  	_ =	shalt  }
0x59: {  	_ =	shalt  }
0x5a: {  	_ =	shalt  }
0x5b: {  	_ =	shalt  }
0x5c: {  	_ =	shalt  }
0x5d: {  	_ =	shalt  }
0x5e: {  	_ =	shalt  }
0x5f: {  	_ =	shalt  }
0x60: {  	_ =	shalt  }
0x61: {  	_ =	shalt  }
0x62: {  	_ =	shalt  }
0x63: {  	_ =	shalt  }
0x64: {  	_ =	shalt  }
0x65: {  	_ =	shalt  }
0x66: {  	_ =	shalt  }
0x67: {  	_ =	shalt  }
0x68: {  	_ =	shalt  }
0x69: {  	_ =	shalt  }
0x6a: {  	_ =	shalt  }
0x6b: {  	_ =	shalt  }
0x6c: {  	_ =	shalt  }
0x6d: {  	_ =	shalt  }
0x6e: {  	_ =	shalt  }
0x6f: {  	_ =	shalt  }
0x70: {  	_ =	shalt  }
0x71: {  	_ =	shalt  }
0x72: {  	_ =	shalt  }
0x73: {  	_ =	shalt  }
0x74: {  	_ =	shalt  }
0x75: {  	_ =	shalt  }
0x76: {  	_ =	shalt  }
0x77: {  	_ =	shalt  }
0x78: {  	_ =	shalt  }
0x79: {  	_ =	shalt  }
0x7a: {  	_ =	shalt  }
0x7b: {  	_ =	shalt  }
0x7c: {  	_ =	shalt  }
0x7d: {  	_ =	shalt  }
0x7e: {  	_ =	shalt  }
0x7f: {  	_ =	shalt  }
0x80: {  	_ =	shalt  }
0x81: {  	_ =	shalt  }
0x82: {  	_ =	shalt  }
0x83: {  	_ =	shalt  }
0x84: {  	_ =	shalt  }
0x85: {  	_ =	shalt  }
0x86: {  	_ =	shalt  }
0x87: {  	_ =	shalt  }
.Lfunc_end0:
.L_simem_size_0:
called_computation.5_lowered:
.L_overlay_start_0:
0x88: {  	s2 =	sld [smem:$0x3FD9]  }
0x89: {  	s3 =	sld [smem:$0x3FFE];
	_ =	sdelay $0x1  }
0x8a: {  	s1 =	srdreg.scid  }
0x8b: {  	s0 =	sand.u32 $0x1, s1  }
0x8c: {  	s14 =	sshll.u32 s0, $0xA;
	s2 =	sadd.s32 s3, s2  }
0x8d: {  	s2 =	sadd.s32 s2, s14  }
0x8e: {  	[smem:$0x3FAB] =	sst s2  }
0x8f: {  	_ = 	snop  }
0x90: {  	s2 =	sld [smem:$0x3FD0];
	_ =	sdelay $0x2  }
0x91: {  	s15 =	simm.s32 $0xB;
	s4 =	simm.s32 $0x10  }
0x92: {  	[smem:s4], [sflag:s15] =	dma.local [hbm:s2], $0x1  }
0x93: {  	_ =	swait.eq [sflag:s15], $0x1  }
0x94: {  	[sflag:s15] =	ssyncset.done $0x0  }
0x95: {  	[sflag:s15] =	ssyncadd.s32 $0xFFFFFFFF  }
0x96: {  	s16 =	sld [smem:$0x12];
	(tm) =	ssettm $0x1  }
0x97: {  	s17 =	sld [smem:$0x3FFB];
	_ =	sdelay $0x3  }
0x98: {  	_ =	strace s17  }
0x99: {  	s3 =	sld [smem:$0x3FFC];
	_ =	sdelay $0x3  }
0x9a: {  	_ =	strace s3  }
0x9b: {  	s3 =	sld [smem:$0x3FFD];
	_ =	sdelay $0x3  }
0x9c: {  	_ =	strace s3  }
0x9d: {  	_ =	strace $0x8FFFFFFF  }
0x9e: {  	s18 =	sld [smem:$0x3FDB];
	_ =	sdelay $0x1  }
0x9f: {  	s19 =	simm.s32 $_scs_section_size  }
0xa0: {  	s5 =	simm.s32 $_size__tile_overlayer_lowered;
	s6 =	simm.s32 $_tile_overlayer_lowered  }
0xa1: {  	s22 =	simm.s32 $0x1BFF;
	s21 =	sshll.u32 s6, $0x1;
	s3 =	sadd.s32 s19, s18  }
0xa2: {  	s7 =	simm.s32 $0x0;
	s20 =	sshll.u32 s5, $0x1;
	s5 =	sadd.s32 s21, s3  }
0xa3: {  	[timem:s7], [sflag:s22] =	dma.local [hbm:s5], s20  }
0xa4: {  	_ =	swait.ge [sflag:s22], s20  }
0xa5: {  	s4 =	ssub.s32 $0x0, s20;
	[sflag:s22] =	ssyncset.done $0x0  }
0xa6: {  	[sflag:s22] =	ssyncadd.s32 s4;
	_ =	sdelay $0x1  }
0xa7: {  	s23 =	simm.s32 $0x1B8B  }
0xa8: {  	_ =	swait.ge [sflag:s23], $0x1  }
0xa9: {  	[sflag:s23] =	ssyncset.done $0x0  }
0xaa: {  	s25 =	simm.s32 $0x1B8E;
	s24 =	sld [smem:$0x3FFE];
	[sflag:s23] =	ssyncadd.s32 $0xFFFFFFFF  }
0xab: {  	s26 =	simm.s32 $execute0_lowered;
	[smem:$0x3FD2] =	sst s25  }
0xac: {  	s5 =	sshll.u32 s26, $0x1;
	_ =	strace $0x8000004C;
	[dreg:$0x1] =	wrdreg $0xFFFFFFFF  }
0xad: {  	s28 =	simm.s32 $_size_execute0_lowered;
	s3 =	sadd.s32 s3, s5;
	[dreg:$0x0] =	wrdreg $0x0  }
0xae: {  	s5 =	sshll.u32 s28, $0x1;
	[dreg:$0x2] =	wrdreg s3  }
0xaf: {  	[dreg:$0x3] =	wrdreg s5  }
0xb0: {  	[dreg:$0x4] =	wrdreg $0xC0  }
0xb1: {  	_ =	task [dreg:s7], $0x5FFFF  }
0xb2: {  	[dreg:$0x1] =	wrdreg $0xFFFFFFFF  }
0xb3: {  	[dreg:$0x0] =	wrdreg $0x60  }
0xb4: {  	[dreg:$0x2] =	wrdreg s16  }
0xb5: {  	[dreg:$0x3] =	wrdreg s24  }
0xb6: {  	[dreg:$0x4] =	wrdreg $0xA  }
0xb7: {  	_ =	task.clear_ibuf [dreg:s7], $0x5FFFF;
	_ =	strace $0x9000004C  }
0xb8: {  	s29 =	simm.s32 $0xA;
	_ =	strace $0x8000004E  }
0xb9: {  	_ =	swait.ge [sflag:s29], $0x1  }
0xba: {  	[sflag:s29] =	ssyncadd.s32 $0xFFFFFFFF  }
0xbb: {  	_ =	strace $0x9000004E  }
0xbc: {  	_ =	sfence  }
0xbd: {  	s30 =	sld [smem:$0x0];
	_ =	sdelay $0x2  }
0xbe: {  	s31 =	sshll.u32 s1, $0xD;
	s1 =	sshrl.u32 s1, $0x2  }
0xbf: {  	s3 =	sand.u32 $0x4000, s31;
	s1 =	sadd.s32 s1, s30  }
0xc0: {  	s0 =	sor.u32 s3, s0;
	s1 =	sshll.u32 s1, $0x11  }
0xc1: {  	s0 =	sor.u32 s1, s0  }
0xc2: {  	s0 =	sadd.s32 $0x8F2B, s0  }
0xc3: {  	[sflag:s0] =	ssyncadd.remote.s32 $0x1  }
0xc4: {  	_ =	sfence.sel $0xFFFF  }
0xc5: {  	[dreg:$0x0] =	wrdreg $0xFFFFFFFF;
	(pc) =	sbr.abs _section_cstart, $3  }
0xc6: {  	[dreg:$0x1] =	wrdreg $0xFFFFFFFF  }
0xc7: {  	_ =	task.clear_ibuf [dreg:s7], $0x2FFFF;
	_ =	strace $0x9FFFFFFF  }
0xc8: {  	(tm) =	ssettm $0x7FFFFFFF  }
0xc9: {  	_ =	shalt  }
tec
execute0_lowered:
.L_overlay_start_1:
0x0: {  	(tag) =	ssettag $0x1  }
0x1: {  	s1 =	srdreg.scid;
	s2 =	rddreg [dreg:$0x0]  }
0x2: {  	s0 =	stileid.u32;
	s5 =	rddreg [dreg:$0x1];
	s6 =	simm.s32 $0x1  }
0x3: {  	s9 =	simm.s32 $0x1;
	s10 =	simm.s32 $0x3;
	s1 =	sshll.u32 s1, $0x9  }
0x4: {  	s13 =	simm.s32 $0x0;
	s3 =	sshll.u32 s0, $0xA;
	s4 =	sand.u32 $0x200, s1  }
0x5: {  	s12 =	simm.s32 $0x0;
	s1 =	rddreg [dreg:$0x2];
	s3 =	sor.u32 s3, s4  }
0x6: {  	_ =	strace $0x8000004D;
	s4 =	sadd.s32 $0x1ED000, s5;
	s8 =	ssub.s32 $0x5000, s3  }
.Ltmp0:
0x7: {  	s5 =	sadd.s32 $0x1EDA00, s5;
	s7 =	sand.u32 $0x3E00, s8;
	(pc) =	sbr.rel .LBB2_1-.Ltmp0, $4  }
0x8: {  	[sflag:s6] =	ssyncpa.u1 $0x0;
	s11 =	smov.u32 s3;
	p0 =	sne.s32 s7, $0x0  }
0x9: {  	s8 =	sshrl.u32 s8, $0xE;
	s7 =	simm.s32 $0x2;
	s9 =	simm.s32 @!p0 $0x0  }
0xa: {  	[sflag:s7] =	ssyncpa.u1 $0x0;
	p0 =	por $0x0, $0x0;
	s8 =	sadd.s32 s9, s8  }
0xb: {  	vm0 =	vmmov $0xffff;
	[sflag:s10] =	ssyncpa.u1 $0x0;
	s10 =	simm.s32 $0x0;
	s9 =	sadd.s32 $0x1, s8  }
.LBB2_4:
0xc: {  	v5 =	vshrl.u32 v1, $0x8;
	v6 =	vshll.u32 v1, $0x7  }
0xd: {  	vm1 =	veq.s32 v1, $0x80000000;
	v58 =	vand.u32 $0x7F, v5;
	v59 =	vand.u32 $0x7F80, v6  }
0xe: {  	v1 =	vsel vm1, $0xFFFFFFFF, v58;
	v5 =	vsel vm1, $0xFFFFFF80, v59  }
0xf: {  	v3 =	vor.u32 v4, v3;
	v60 =	vand.u32 $0xFFFFFC00, v5;
	v61 =	vand.u32 $0xFFFFFC00, v1  }
0x10: {  	v2 =	vor.u32 v2, v3;
	v63 =	vand.u32 $0x380, v5;
	v62 =	vadd.s32 v61, v60  }
0x11: {  	v1 =	vand.u32 $0x7F, v1;
	v3 =	vor.u32 v63, v62  }
0x12: {  	v1 =	vor.u32 v1, v3  }
0x13: {  	[tilespmem:s15], [sflag:$0x1] =	stream.indirect_vreg.gather [hbm4b:s2+s10], $0x1, v0, vm0, $0x4038;
	[tilespmem:$0x800] =	vst v63  }
0x14: {  	(ifvalue) =	ssetifvalue $0x7FFFFFFF  }
0x15: {  	[tilespmem:s16], [sflag:$0x1] =	stream.indirect_vreg.gather [hbm4b:s2+s10], $0x1, v2, vm0, $0x4038;
	[tilespmem:$0x800] =	vst v63  }
0x16: {  	s29 =	sadd.s32 $0x10, s16;
	(ifvalue) =	ssetifvalue $0x7FFFFFFF  }
0x17: {  	[tilespmem:s29], [sflag:$0x1] =	stream.indirect_vreg.gather [hbm4b:s2+s10], $0x1, v1, vm0, $0x4038;
	[tilespmem:$0x800] =	vst v63  }
0x18: {  	_ =	swait.ge [sflag:s6], $0x200  }
0x19: {  	s30 =	sshrl.u32 s13, $0x3;
	[sflag:s6] =	ssyncset.done $0x0  }
0x1a: {  	s31 =	sand.u32 $0x7, s13;
	s15 =	sadd.s32 s5, s30;
	[sflag:s6] =	ssyncadd.s32 $0xFFFFFE00  }
0x1b: {  	[hbm4b:s15+s31] =	stream.linear.scatter [tilespmem:s14], [sflag:$0x3], $0x200, $0x38;
	[tilespmem:$0x800] =	vst v63  }
.LBB2_5:
0x1c: {  	s15 =	sadd.s32 $0x4000, s11  }
0x1d: {  	p2 =	sgt.s32 s15, $0x4FFF  }
0x1e: {  	s15 =	smov.u32 @p2 s3;
	p2 =	sne.s32 s12, s9  }
.Ltmp1:
0x1f: {  	p1 =	slt.u32 s12, $0x2;
	(pc) =	sbr.rel @!p2 .LBB2_6-.Ltmp1, $4  }
0x20: {  	s14 =	simm.s32 @!p1 $0x3  }
0x21: {  	s16 =	sadd.s32 $0x1, s12;
	_ =	swait.ge @!p1 [sflag:s14], $0x200  }
0x22: {  	s13 =	smov.u32 s11;
	p0 =	por !p0, !p0;
	[sflag:s14] =	ssyncset.done @!p1 $0x0  }
0x23: {  	s12 =	smov.u32 s16;
	s11 =	smov.u32 s15;
	[sflag:s14] =	ssyncadd.s32 @!p1 $0xFFFFFE00  }
.LBB2_1:
0x24: {  	p1 =	sge.u32 s12, s8  }
0x25: {  	s14 =	sxor.u32 @!p1 $0xFFFFFFFF, s12  }
0x26: {  	s31 =	sadd.s32 $0xFFFFFFFF, s12;
	s15 =	sshrl.u32 @!p1 s11, $0x3;
	s14 =	sshll.u32 @!p1 s14, $0x9  }
0x27: {  	s16 =	sand.u32 @!p1 $0x7, s11;
	s15 =	sadd.s32 @!p1 s4, s15;
	s14 =	sand.u32 @!p1 $0x200, s14  }
0x28: {  	[tilespmem:s14], [sflag:$0x2] =	stream.linear.gather @!p1 [hbm4b:s15+s16], $0x200, $0x38;
	[tilespmem:$0x800] =	vst v63  }
0x29: {  	p1 =	sge.u32 s31, s8  }
.Ltmp2:
0x2a: {  	_ = 	snop;
	(pc) =	sbr.rel @p1 .LBB2_5-.Ltmp2, $1  }
0x2b: {  	_ =	sdelay $0x3  }
0x2c: {  	s14 =	simm.s32 $0x1  }
0x2d: {  	_ =	swait.ge [sflag:s7], $0x200;
	s14 =	simm.s32 @!p0 $0x0  }
0x2e: {  	[sflag:s7] =	ssyncset.done $0x0;
	s14 =	sshll.u32 s14, $0x9  }
0x2f: {  	[sflag:s7] =	ssyncadd.s32 $0xFFFFFE00;
	(ifvalue) =	ssetifvalue $0x7FFFFFFF;
	v0 =	vld.msk [tilespmem:s14+$0x0 ss:$0x1], $0xffff;
	_ =	sdelay $0x4  }
0x30: {  	s15 =	sadd.s32 $0x10, s14;
	v2 =	vshrl.u32 v0, $0x8;
	v3 =	vshll.u32 v0, $0x7  }
0x31: {  	v1 =	vld.msk [tilespmem:s15+$0x0 ss:$0x1], $0xffff;
	vm1 =	veq.s32 v0, $0x80000000;
	v0 =	vand.u32 $0x7F, v2;
	v2 =	vand.u32 $0x7F80, v3  }
0x32: {  	v0 =	vsel vm1, $0xFFFFFFFF, v0;
	v2 =	vsel vm1, $0xFFFFFF80, v2  }
0x33: {  	v3 =	vand.u32 $0xFFFFFC00, v2;
	v4 =	vand.u32 $0xFFFFFC00, v0  }
0x34: {  	v2 =	vand.u32 $0x380, v2;
	v3 =	vadd.s32 v4, v3  }
0x35: {  	v0 =	vand.u32 $0x7F, v0;
	v2 =	vor.u32 v2, v3  }
0x36: {  	v5 =	vshll.u32 v1, $0x7;
	v4 =	vshrl.u32 v1, $0x8;
	v0 =	vor.u32 v0, v2  }
0x37: {  	s16 =	sshll.u32 s12, $0x9;
	vm1 =	veq.s32 v1, $0x80000000;
	v1 =	vand.u32 $0x7F, v4;
	v4 =	vand.u32 $0x7F80, v5  }
0x38: {  	s16 =	sand.u32 $0x200, s16;
	s18 =	sadd.s32 $0x10, s15;
	v3 =	vsel vm1, $0xFFFFFFFF, v1;
	v4 =	vsel vm1, $0xFFFFFF80, v4  }
0x39: {  	s17 =	simm.s32 $0x20;
	s15 =	sor.u32 $0x400, s14;
	s14 =	sor.u32 $0x400, s16;
	v1 =	vld.msk [tilespmem:s18+$0x0 ss:$0x1], $0xffff;
	v5 =	vand.u32 $0xFFFFFC00, v4;
	v6 =	vand.u32 $0xFFFFFC00, v3  }
0x3a: {  	s16 =	sadd.s32 $0x10, s15;
	s18 =	sadd.s32 $0x10, s18;
	(ifvalue) =	ssetifvalue $0x7FFFFFFF;
	v2 =	vand.u32 $0x7F, v3;
	v4 =	vand.u32 $0x380, v4;
	v3 =	vadd.s32 v6, v5  }
.LBB2_3:
0x3b: {  	[tilespmem:s15], [sflag:$0x1] =	stream.indirect_vreg.gather [hbm4b:s2+s10], $0x1, v0, vm0, $0x4038;
	[tilespmem:$0x800] =	vst v63  }
0x3c: {  	s17 =	sadd.s32 $0x10, s17  }
0x3d: {  	v3 =	vor.u32 v4, v3;
	p1 =	slt.u32 s17, $0x1F0  }
.Ltmp3:
0x3e: {  	v4 =	vshrl.u32 v1, $0x8;
	v5 =	vshll.u32 v1, $0x7;
	s15 =	smov.u32 s16;
	v0 =	vor.u32 v2, v3;
	v2 =	vmovc v1;
	v1 =	vld.msk [tilespmem:s18+$0x0 ss:$0x1], $0xffff;
	(pc) =	sbr.rel @p1 .LBB2_3-.Ltmp3, $4  }
0x3f: {  	v3 =	vand.u32 $0x7F80, v5;
	vm1 =	veq.s32 v2, $0x80000000;
	v2 =	vand.u32 $0x7F, v4  }
0x40: {  	v4 =	vsel vm1, $0xFFFFFFFF, v2;
	v5 =	vsel vm1, $0xFFFFFF80, v3  }
0x41: {  	v2 =	vand.u32 $0x7F, v4;
	v3 =	vand.u32 $0xFFFFFC00, v5;
	v4 =	vand.u32 $0xFFFFFC00, v4  }
0x42: {  	s16 =	sadd.s32 $0x10, s16;
	s18 =	sadd.s32 $0x10, s18;
	v3 =	vadd.s32 v4, v3;
	v4 =	vand.u32 $0x380, v5;
	(ifvalue) =	ssetifvalue $0x7FFFFFFF  }
.Ltmp4:
0x43: {  	_ = 	snop;
	(pc) =	sbr.rel .LBB2_4-.Ltmp4, $1  }
0x44: {  	_ =	sdelay $0x3  }
.LBB2_6:
0x45: {  	_ =	sfence.sel $0x180000  }
0x46: {  	s2 =	simm.s32 $0x2;
	[bflag:$0x0] =	sbarrier.arrive $0xFFFF  }
0x47: {  	s30 =	simm.s32 $0x3;
	[sflag:s2] =	ssyncpa.u1 $0x1  }
0x48: {  	s31 =	simm.s32 $0x1;
	[sflag:s30] =	ssyncpa.u1 $0x1  }
0x49: {  	[sflag:s31] =	ssyncpa.u1 $0x1  }
0x4a: {  	p0 =	sne.s32 s0, $0x0;
	_ =	strace $0x9000004D  }
0x4b: {  	s0 =	sadd.s32 @!p0 $0x100000, s1;
	[bflag:$0x2] =	sbarrier.arrive $0xFFFF  }
0x4c: {  	[sflag:s0] =	ssyncadd.tile.s32 @!p0 $0x1;
	_ =	shalt  }
.Lfunc_end2:
_tile_overlayer_lowered:
.L_overlay_start_2:
0x4d: {  	(tag) =	ssettag $0x2  }
0x4e: {  	s0 =	rddreg [dreg:$0x0];
	s2 =	stileid.u32  }
0x4f: {  	s1 =	rddreg [dreg:$0x1];
	p0 =	sne.s32 s2, $0x0  }
0x50: {  	s3 =	rddreg [dreg:$0x2];
	[bflag:$0x3] =	sbarrier.arrive $0xFFFF;
	s2 =	simm.s32 @!p0 $0x1C01  }
0x51: {  	[timem:s3], [sflag:s2] =	dma.local @!p0 [hbm:s0], s1  }
0x52: {  	s0 =	simm.s32 @!p0 $0x1  }
0x53: {  	_ =	swait.ge @!p0 [sflag:s0], s1  }
0x54: {  	s1 =	ssub.s32 @!p0 $0x0, s1;
	[sflag:s0] =	ssyncset.done @!p0 $0x0  }
0x55: {  	[sflag:s0] =	ssyncadd.s32 @!p0 s1  }
0x56: {  	[bflag:$0x3] =	sbarrier.arrive $0xFFFF  }
0x57: {  	_ =	shalt  }

// kernel: gather_offload_async_start.5
scs
__scs_entry_jumppad:
0x0: {  	(pc) =	sbr.rel $0x88, $3  }
0x1: {  	(tag) =	ssettag $0x0;
	lr =	simm.s32 $0x1  }
0x2: {  	[smem:$0x3F84] =	sst lr;
	_ =	strace $0xD0000000  }
0x3: {  	_ = 	snop  }
0x4: {  	_ = 	snop  }
0x5: {  	_ = 	snop  }
0x6: {  	_ = 	snop  }
0x7: {  	_ = 	snop  }
__scs_overlays_trampoline_lowered:
0x8: {  	[smem:$0x3F93] =	sst s0  }
0x9: {  	[smem:$0x3F94] =	sst s1  }
0xa: {  	[smem:$0x3F95] =	sst s2  }
0xb: {  	[smem:$0x3F96] =	sst s3  }
0xc: {  	[smem:$0x3F97] =	sst s4  }
0xd: {  	[smem:$0x3F98] =	sst s5  }
0xe: {  	[smem:$0x3F99] =	sst s6  }
0xf: {  	[smem:$0x3F9A] =	sst s7  }
0x10: {  	[smem:$0x3F9B] =	sst s8  }
0x11: {  	[smem:$0x3F9C] =	sst s9;
	s0 =	simm.s32 @!p0 $0x0  }
0x12: {  	s1 =	sld [smem:$0x3F82];
	s0 =	simm.s32 @p0 $0x1  }
0x13: {  	[smem:$0x3F9D] =	sst s0;
	s0 =	simm.s32 @!p1 $0x0  }
0x14: {  	s2 =	sld [smem:$0x3F81];
	s0 =	simm.s32 @p1 $0x1  }
0x15: {  	[smem:$0x3F9E] =	sst s0;
	s0 =	simm.s32 @!p2 $0x0  }
0x16: {  	s3 =	sld [smem:$0x3FDB];
	s0 =	simm.s32 @p2 $0x1  }
0x17: {  	s4 =	simm.s32 $0x1BF5;
	[smem:$0x3FA0] =	sst s0  }
0x18: {  	s0 =	sld [smem:$0x3F83];
	_ =	swait.ge [sflag:s4], $0x0  }
0x19: {  	s7 =	sld [smem:$0x3F84]  }
0x1a: {  	s8 =	sadd.s32 $0xFFFFE003, lr  }
0x1b: {  	s9 =	sadd.s32 $0xFFFFFEF7, lr;
	s5 =	simm.s32 $0xFFFFFFFF;
	p2 =	slt.u32 s8, $0xFFFFF086  }
0x1c: {  	p1 =	slt.u32 s9, $0xF7A;
	s5 =	simm.s32 @!p2 $0x0  }
0x1d: {  	s5 =	simm.s32 @p1 $0x1;
	p0 =	seq.s32 s7, s2  }
0x1e: {  	s7 =	smul.u32 @!p0 $0xF7A, s2;
	p2 =	seq.s32 @!p0 s5, $0x0  }
0x1f: {  	s9 =	smul.u32 $0xF7A, s1;
	s8 =	simm.s32 @!p0 $0x1BF5;
	p2 =	por !p2, p0  }
0x20: {  	[sflag:s8] =	ssyncset.s32 @!p0 $0xFFFFF086;
	s6 =	sadd.s32 @!p0 s3, s7;
	s7 =	simm.s32 @!p0 $0x108  }
0x21: {  	s3 =	sadd.s32 s3, s9;
	s6 =	sadd.s32 @!p0 $0x88, s6;
	s7 =	simm.s32 @p2 $0x1082  }
0x22: {  	[simem:s7], [sflag:s8] =	dma.local @!p0 [hbm:s6], $0xF7A  }
0x23: {  	s9 =	sor.u32 $0xD0000000, s2;
	s6 =	simm.s32 $0x108;
	_ =	swait.ge @!p0 [sflag:s8], $0x0  }
0x24: {  	s3 =	sadd.s32 $0x88, s3;
	s6 =	simm.s32 @!p1 $0x1082;
	[sflag:s4] =	ssyncset.s32 $0xFFFFF086  }
0x25: {  	[simem:s6], [sflag:s4] =	dma.local [hbm:s3], $0xF7A  }
0x26: {  	[smem:$0x3F84] =	sst s1;
	(tag) =	ssettag s2;
	_ =	strace s9  }
0x27: {  	s1 =	sld [smem:$0x3F94]  }
0x28: {  	s2 =	sld [smem:$0x3F95]  }
0x29: {  	s4 =	sld [smem:$0x3F97]  }
0x2a: {  	p0 =	seq.s32 s5, $0x0;
	s5 =	sld [smem:$0x3F98]  }
0x2b: {  	s6 =	sld [smem:$0x3F99]  }
0x2c: {  	s7 =	sld [smem:$0x3F9A]  }
0x2d: {  	s3 =	simm.s32 $0x108;
	s8 =	sld [smem:$0x3F9B]  }
0x2e: {  	s3 =	simm.s32 @!p0 $0x1082;
	s9 =	sld [smem:$0x3F9C]  }
0x2f: {  	lr =	sadd.s32 s0, s3;
	s0 =	sld [smem:$0x3F93]  }
0x30: {  	s3 =	sld [smem:$0x3F96]  }
0x31: {  	[smem:$0x3F9F] =	sst s10  }
0x32: {  	s10 =	sld [smem:$0x3F9D];
	_ =	sdelay $0x3  }
0x33: {  	p0 =	seq.s32 s10, $0x1;
	s10 =	sld [smem:$0x3F9F];
	_ =	sdelay $0x3  }
0x34: {  	[smem:$0x3F9F] =	sst s10  }
0x35: {  	s10 =	sld [smem:$0x3F9E];
	_ =	sdelay $0x3  }
0x36: {  	p1 =	seq.s32 s10, $0x1;
	s10 =	sld [smem:$0x3F9F];
	_ =	sdelay $0x3  }
0x37: {  	[smem:$0x3F9F] =	sst s10  }
0x38: {  	s10 =	sld [smem:$0x3FA0]  }
0x39: {  	_ = 	snop;
	(pc) =	sbr.ind lr, $3  }
0x3a: {  	_ = 	snop  }
0x3b: {  	_ = 	snop  }
0x3c: {  	p2 =	seq.s32 s10, $0x1;
	s10 =	sld [smem:$0x3F9F]  }
0x3d: {  	_ =	shalt  }
0x3e: {  	_ =	shalt  }
0x3f: {  	_ =	shalt  }
0x40: {  	_ =	shalt  }
0x41: {  	_ =	shalt  }
0x42: {  	_ =	shalt  }
0x43: {  	_ =	shalt  }
0x44: {  	_ =	shalt  }
0x45: {  	_ =	shalt  }
0x46: {  	_ =	shalt  }
0x47: {  	_ =	shalt  }
0x48: {  	_ =	shalt  }
0x49: {  	_ =	shalt  }
0x4a: {  	_ =	shalt  }
0x4b: {  	_ =	shalt  }
0x4c: {  	_ =	shalt  }
0x4d: {  	_ =	shalt  }
0x4e: {  	_ =	shalt  }
0x4f: {  	_ =	shalt  }
0x50: {  	_ =	shalt  }
0x51: {  	_ =	shalt  }
0x52: {  	_ =	shalt  }
0x53: {  	_ =	shalt  }
0x54: {  	_ =	shalt  }
0x55: {  	_ =	shalt  }
0x56: {  	_ =	shalt  }
0x57: {  	_ =	shalt  }
0x58: {  	_ =	shalt  }
0x59: {  	_ =	shalt  }
0x5a: {  	_ =	shalt  }
0x5b: {  	_ =	shalt  }
0x5c: {  	_ =	shalt  }
0x5d: {  	_ =	shalt  }
0x5e: {  	_ =	shalt  }
0x5f: {  	_ =	shalt  }
0x60: {  	_ =	shalt  }
0x61: {  	_ =	shalt  }
0x62: {  	_ =	shalt  }
0x63: {  	_ =	shalt  }
0x64: {  	_ =	shalt  }
0x65: {  	_ =	shalt  }
0x66: {  	_ =	shalt  }
0x67: {  	_ =	shalt  }
0x68: {  	_ =	shalt  }
0x69: {  	_ =	shalt  }
0x6a: {  	_ =	shalt  }
0x6b: {  	_ =	shalt  }
0x6c: {  	_ =	shalt  }
0x6d: {  	_ =	shalt  }
0x6e: {  	_ =	shalt  }
0x6f: {  	_ =	shalt  }
0x70: {  	_ =	shalt  }
0x71: {  	_ =	shalt  }
0x72: {  	_ =	shalt  }
0x73: {  	_ =	shalt  }
0x74: {  	_ =	shalt  }
0x75: {  	_ =	shalt  }
0x76: {  	_ =	shalt  }
0x77: {  	_ =	shalt  }
0x78: {  	_ =	shalt  }
0x79: {  	_ =	shalt  }
0x7a: {  	_ =	shalt  }
0x7b: {  	_ =	shalt  }
0x7c: {  	_ =	shalt  }
0x7d: {  	_ =	shalt  }
0x7e: {  	_ =	shalt  }
0x7f: {  	_ =	shalt  }
0x80: {  	_ =	shalt  }
0x81: {  	_ =	shalt  }
0x82: {  	_ =	shalt  }
0x83: {  	_ =	shalt  }
0x84: {  	_ =	shalt  }
0x85: {  	_ =	shalt  }
0x86: {  	_ =	shalt  }
0x87: {  	_ =	shalt  }
.Lfunc_end0:
.L_simem_size_0:
called_computation.6_lowered:
.L_overlay_start_0:
0x88: {  	s2 =	sld [smem:$0x3FD9]  }
0x89: {  	s3 =	sld [smem:$0x3FFE];
	_ =	sdelay $0x1  }
0x8a: {  	s1 =	srdreg.scid  }
0x8b: {  	s0 =	sand.u32 $0x1, s1  }
0x8c: {  	s14 =	sshll.u32 s0, $0xA;
	s2 =	sadd.s32 s3, s2  }
0x8d: {  	s2 =	sadd.s32 s2, s14  }
0x8e: {  	[smem:$0x3FAB] =	sst s2  }
0x8f: {  	_ = 	snop  }
0x90: {  	s2 =	sld [smem:$0x3FD0];
	_ =	sdelay $0x2  }
0x91: {  	s15 =	simm.s32 $0xB;
	s4 =	simm.s32 $0x10  }
0x92: {  	[smem:s4], [sflag:s15] =	dma.local [hbm:s2], $0x1  }
0x93: {  	_ =	swait.eq [sflag:s15], $0x1  }
0x94: {  	[sflag:s15] =	ssyncset.done $0x0  }
0x95: {  	[sflag:s15] =	ssyncadd.s32 $0xFFFFFFFF  }
0x96: {  	s16 =	sld [smem:$0x11];
	(tm) =	ssettm $0x1  }
0x97: {  	s17 =	sld [smem:$0x3FFB];
	_ =	sdelay $0x3  }
0x98: {  	_ =	strace s17  }
0x99: {  	s3 =	sld [smem:$0x3FFC];
	_ =	sdelay $0x3  }
0x9a: {  	_ =	strace s3  }
0x9b: {  	s3 =	sld [smem:$0x3FFD];
	_ =	sdelay $0x3  }
0x9c: {  	_ =	strace s3  }
0x9d: {  	_ =	strace $0x8FFFFFFF  }
0x9e: {  	s18 =	sld [smem:$0x3FDB];
	_ =	sdelay $0x1  }
0x9f: {  	s19 =	simm.s32 $_scs_section_size  }
0xa0: {  	s5 =	simm.s32 $_size__tile_overlayer_lowered;
	s6 =	simm.s32 $_tile_overlayer_lowered  }
0xa1: {  	s22 =	simm.s32 $0x1BFF;
	s21 =	sshll.u32 s6, $0x1;
	s3 =	sadd.s32 s19, s18  }
0xa2: {  	s7 =	simm.s32 $0x0;
	s20 =	sshll.u32 s5, $0x1;
	s5 =	sadd.s32 s21, s3  }
0xa3: {  	[timem:s7], [sflag:s22] =	dma.local [hbm:s5], s20  }
0xa4: {  	_ =	swait.ge [sflag:s22], s20  }
0xa5: {  	s4 =	ssub.s32 $0x0, s20;
	[sflag:s22] =	ssyncset.done $0x0  }
0xa6: {  	[sflag:s22] =	ssyncadd.s32 s4;
	_ =	sdelay $0x1  }
0xa7: {  	s23 =	simm.s32 $0x1B8B  }
0xa8: {  	_ =	swait.ge [sflag:s23], $0x1  }
0xa9: {  	[sflag:s23] =	ssyncset.done $0x0  }
0xaa: {  	s25 =	simm.s32 $0x1B8E;
	s24 =	sld [smem:$0x3FFE];
	[sflag:s23] =	ssyncadd.s32 $0xFFFFFFFF  }
0xab: {  	s26 =	simm.s32 $execute0_lowered;
	[smem:$0x3FD2] =	sst s25  }
0xac: {  	s5 =	sshll.u32 s26, $0x1;
	_ =	strace $0x80000052;
	[dreg:$0x1] =	wrdreg $0xFFFFFFFF  }
0xad: {  	s28 =	simm.s32 $_size_execute0_lowered;
	s3 =	sadd.s32 s3, s5;
	[dreg:$0x0] =	wrdreg $0x0  }
0xae: {  	s5 =	sshll.u32 s28, $0x1;
	[dreg:$0x2] =	wrdreg s3  }
0xaf: {  	[dreg:$0x3] =	wrdreg s5  }
0xb0: {  	[dreg:$0x4] =	wrdreg $0xC0  }
0xb1: {  	_ =	task [dreg:s7], $0x5FFFF  }
0xb2: {  	[dreg:$0x1] =	wrdreg $0xFFFFFFFF  }
0xb3: {  	[dreg:$0x0] =	wrdreg $0x60  }
0xb4: {  	[dreg:$0x2] =	wrdreg s24  }
0xb5: {  	[dreg:$0x3] =	wrdreg s16  }
0xb6: {  	[dreg:$0x4] =	wrdreg $0x9  }
0xb7: {  	_ =	task.clear_ibuf [dreg:s7], $0x5FFFF;
	_ =	strace $0x90000052  }
0xb8: {  	s29 =	simm.s32 $0x9;
	_ =	strace $0x80000054  }
0xb9: {  	_ =	swait.ge [sflag:s29], $0x1  }
0xba: {  	[sflag:s29] =	ssyncadd.s32 $0xFFFFFFFF  }
0xbb: {  	_ =	strace $0x90000054  }
0xbc: {  	_ =	sfence  }
0xbd: {  	s30 =	sld [smem:$0x0];
	_ =	sdelay $0x2  }
0xbe: {  	s31 =	sshll.u32 s1, $0xD;
	s1 =	sshrl.u32 s1, $0x2  }
0xbf: {  	s3 =	sand.u32 $0x4000, s31;
	s1 =	sadd.s32 s1, s30  }
0xc0: {  	s0 =	sor.u32 s3, s0;
	s1 =	sshll.u32 s1, $0x11  }
0xc1: {  	s0 =	sor.u32 s1, s0  }
0xc2: {  	s0 =	sadd.s32 $0x8F2B, s0  }
0xc3: {  	[sflag:s0] =	ssyncadd.remote.s32 $0x1  }
0xc4: {  	_ =	sfence.sel $0xFFFF  }
0xc5: {  	[dreg:$0x0] =	wrdreg $0xFFFFFFFF;
	(pc) =	sbr.abs _section_cstart, $3  }
0xc6: {  	[dreg:$0x1] =	wrdreg $0xFFFFFFFF  }
0xc7: {  	_ =	task.clear_ibuf [dreg:s7], $0x2FFFF;
	_ =	strace $0x9FFFFFFF  }
0xc8: {  	(tm) =	ssettm $0x7FFFFFFF  }
0xc9: {  	_ =	shalt  }
tec
execute0_lowered:
.L_overlay_start_1:
0x0: {  	(tag) =	ssettag $0x1  }
0x1: {  	s0 =	srdreg.scid  }
0x2: {  	s1 =	sshll.u32 s0, $0x4  }
0x3: {  	s0 =	stileid.u32;
	s1 =	sand.u32 $0x10, s1  }
0x4: {  	s9 =	rddreg [dreg:$0x0];
	s1 =	sor.u32 s0, s1  }
0x5: {  	s3 =	rddreg [dreg:$0x1];
	s2 =	smin.u32 s1, $0x8  }
0x6: {  	p0 =	slt.u32 s1, $0x8;
	s2 =	sadd.s32 s1, s2;
	s1 =	simm.s32 $0x40  }
0x7: {  	s6 =	simm.s32 $0x1;
	s2 =	sshll.u32 s2, $0x5;
	s1 =	simm.s32 @!p0 $0x20  }
0x8: {  	s7 =	simm.s32 $0x2;
	s10 =	simm.s32 $0x3;
	s4 =	sadd.s32 s1, s2  }
0x9: {  	s13 =	simm.s32 $0x0;
	s12 =	simm.s32 $0x0;
	s4 =	smin.u32 s4, $0x500  }
.Ltmp0:
0xa: {  	s5 =	sadd.s32 $0xD000, s9;
	s8 =	ssub.s32 s4, s2;
	(pc) =	sbr.rel .LBB2_1-.Ltmp0, $4  }
0xb: {  	s1 =	rddreg [dreg:$0x2];
	_ =	strace $0x80000053;
	p0 =	sgt.s32 s8, $0x0  }
0xc: {  	s9 =	sadd.s32 $0x4FB000, s9;
	[sflag:s6] =	ssyncpa.u1 $0x0;
	s8 =	simm.s32 @!p0 $0x0  }
0xd: {  	s11 =	smov.u32 s2;
	[sflag:s7] =	ssyncpa.u1 $0x0;
	s8 =	sshrl.u32 s8, $0x5  }
0xe: {  	vm0 =	vmmov $0xff;
	vm1 =	vcmask $0x3F20;
	[sflag:s10] =	ssyncpa.u1 $0x0;
	p0 =	por $0x0, $0x0;
	s10 =	sadd.s32 $0x1, s8  }
.LBB2_9:
0xf: {  	s13 =	sadd.s32 $0x20, s11  }
0x10: {  	s15 =	smov.u32 s2;
	p2 =	slt.s32 s13, s4  }
0x11: {  	s15 =	smov.u32 @p2 s13;
	p2 =	sne.s32 s12, s10  }
.Ltmp1:
0x12: {  	p1 =	slt.u32 s12, $0x2;
	(pc) =	sbr.rel @!p2 .LBB2_10-.Ltmp1, $4  }
0x13: {  	s14 =	simm.s32 @!p1 $0x3  }
0x14: {  	s16 =	sadd.s32 $0x1, s12;
	_ =	swait.ge @!p1 [sflag:s14], $0x6000  }
0x15: {  	p0 =	por !p0, !p0;
	s13 =	smov.u32 s11;
	[sflag:s14] =	ssyncset.done @!p1 $0x0  }
0x16: {  	s12 =	smov.u32 s16;
	s11 =	smov.u32 s15;
	[sflag:s14] =	ssyncadd.s32 @!p1 $0xFFFFA000  }
.LBB2_1:
0x17: {  	p1 =	sge.u32 s12, s8  }
0x18: {  	s14 =	sxor.u32 @!p1 $0xFFFFFFFF, s12  }
0x19: {  	s31 =	sadd.s32 $0xFFFFFFFF, s12;
	s15 =	sshrl.u32 @!p1 s11, $0x3;
	s14 =	sshll.u32 @!p1 s14, $0x5  }
0x1a: {  	s16 =	sand.u32 @!p1 $0x7, s11;
	s15 =	sadd.s32 @!p1 s3, s15;
	s14 =	sand.u32 @!p1 $0x20, s14  }
0x1b: {  	[tilespmem:s14], [sflag:$0x2] =	stream.linear.gather @!p1 [hbm4b:s15+s16], $0x20, $0x38;
	[tilespmem:$0xC040] =	vst v63  }
0x1c: {  	p1 =	sge.u32 s31, s8  }
.Ltmp2:
0x1d: {  	_ = 	snop;
	(pc) =	sbr.rel @p1 .LBB2_9-.Ltmp2, $1  }
0x1e: {  	_ =	sdelay $0x3  }
0x1f: {  	s14 =	simm.s32 $0x1  }
0x20: {  	s14 =	simm.s32 @!p0 $0x0  }
0x21: {  	_ =	swait.ge [sflag:s7], $0x20;
	s14 =	smul.u32 $0x18000, s14  }
0x22: {  	s15 =	sand.u32 $0x1, s12;
	s17 =	simm.s32 $0x0;
	p1 =	por $0x1, $0x1  }
0x23: {  	[sflag:s7] =	ssyncset.done $0x0;
	s15 =	sshll.u32 s15, $0x5;
	s16 =	sshrl.u32 s14, $0x2  }
0x24: {  	[sflag:s7] =	ssyncadd.s32 $0xFFFFFFE0;
	s14 =	sor.u32 $0x40, s16;
	s16 =	sadd.s32 $0x40, s16  }
.LBB2_3:
0x25: {  	s18 =	sshll.u32 s17, $0x4  }
0x26: {  	s18 =	sand.u32 $0x3FFFFFF0, s18  }
0x27: {  	s18 =	sadd.s32 s18, s15  }
0x28: {  	v0 =	vld.msk [tilespmem:s18+$0x0 ss:$0x1], $0xffff;
	_ =	sdelay $0x4  }
0x29: {  	v1 =	vshrl.u32 v0, $0x8  }
0x2a: {  	vm2 =	veq.s32 v0, $0x80000000;
	v1 =	vand.u32 $0x7F, v1  }
0x2b: {  	v0 =	vand.u32 $0xFF, v0;
	v1 =	vsel vm2, $0xFFFFFFFF, v1  }
0x2c: {  	v0 =	vmul.u32 $0xF000, v0;
	v2 =	vshrl.u32 v1, $0x3  }
0x2d: {  	v2 =	vmul.u32 $0x1800, v2  }
0x2e: {  	v0 =	vsel vm2, $0xFFFF1000, v0;
	v1 =	vshll.u32 v1, $0x7  }
0x2f: {  	v1 =	vand.u32 $0x380, v1;
	v0 =	vadd.s32 v0, v2  }
0x30: {  	v0 =	vor.u32 v1, v0  }
0x31: {  	s31 =	smul.u32 $0xC000, s17;
	v0 =	vshrl.u32 v0, $0x3;
	_ =	sdelay $0x1  }
0x32: {  	s17 =	sshra.s32 s31, $0x2  }
0x33: {  	s17 =	sadd.s32 s17, s16  }
0x34: {  	s19 =	sadd.s32 $0x0, s17  }
0x35: {  	[tilespmem:s19], [sflag:$0x1] =	stream.indirect_vreg.gather [hbm:s5], $0x80, v0, vm0, $0x38;
	[tilespmem:$0xC040] =	vst v63  }
0x36: {  	p2 =	por p1, p1;
	s18 =	simm.s32 $0x1000;
	v1 =	vadd.s32 $0x80, v0;
	s19 =	sadd.s32 $0x1800, s19  }
.LBB2_4:
0x37: {  	[tilespmem:s19], [sflag:$0x1] =	stream.indirect_vreg.gather [hbm:s5], $0x80, v0, vm1, $0x38;
	[tilespmem:$0xC040] =	vst v63  }
0x38: {  	v0 =	vmov v1;
	s19 =	smov.u32 s18;
	p1 =	sne.s32 s18, $0x5000  }
.Ltmp3:
0x39: {  	s18 =	sadd.s32 $0x1000, s18;
	(pc) =	sbr.rel @p1 .LBB2_4-.Ltmp3, $4  }
0x3a: {  	s19 =	sshra.s32 s19, $0x2  }
0x3b: {  	s19 =	sadd.s32 s19, s17  }
0x3c: {  	[tilespmem:s19], [sflag:$0x1] =	stream.indirect_vreg.gather [hbm:s5], $0x80, v1, vm0, $0x38;
	[tilespmem:$0xC040] =	vst v63  }
0x3d: {  	s19 =	sadd.s32 $0x1800, s19;
	v1 =	vadd.s32 $0x80, v1  }
0x3e: {  	_ = 	snop  }
.Ltmp4:
0x3f: {  	_ = 	snop;
	(pc) =	sbr.rel @p2 .LBB2_3-.Ltmp4, $3  }
0x40: {  	_ =	sdelay $0x1  }
0x41: {  	[tilespmem:s19], [sflag:$0x1] =	stream.indirect_vreg.gather [hbm:s5], $0x80, v0, vm1, $0x38;
	[tilespmem:$0xC040] =	vst v63  }
0x42: {  	s17 =	simm.s32 $0x1;
	p1 =	por $0x0, $0x0  }
0x43: {  	s15 =	sshrl.u32 s13, $0x3  }
0x44: {  	s15 =	smul.u32 $0x300, s15  }
0x45: {  	s31 =	sshll.u32 s13, $0x4  }
0x46: {  	_ =	swait.ge [sflag:s6], $0x6000;
	s13 =	sand.u32 $0x70, s31;
	s15 =	sadd.s32 s15, s9  }
0x47: {  	s16 =	sadd.s32 $0x1800, s14;
	[sflag:s6] =	ssyncset.done $0x0;
	s13 =	sadd.s32 s13, s15  }
0x48: {  	[sflag:s6] =	ssyncadd.s32 $0xFFFFA000;
	s15 =	simm.s32 $0x300;
	s17 =	sadd.s32 $0x0, s13  }
.LBB2_7:
0x49: {  	[hbm:s17] =	stream.linear.scatter [tilespmem:s14], [sflag:$0x3], $0x1800, $0x38;
	[tilespmem:$0xC040] =	vst v63  }
0x4a: {  	s17 =	smov.u32 s15;
	s14 =	smov.u32 s16;
	p1 =	sne.s32 s15, $0x900  }
.Ltmp5:
0x4b: {  	s15 =	sadd.s32 $0x300, s15;
	(pc) =	sbr.rel @p1 .LBB2_7-.Ltmp5, $2  }
0x4c: {  	_ =	sdelay $0x2  }
0x4d: {  	s16 =	sadd.s32 $0x1800, s16;
	s17 =	sadd.s32 s17, s13  }
.Ltmp6:
0x4e: {  	(pc) =	sbr.rel .LBB2_9-.Ltmp6, $2  }
0x4f: {  	_ =	sdelay $0x2  }
0x50: {  	[hbm:s17] =	stream.linear.scatter [tilespmem:s14], [sflag:$0x3], $0x1800, $0x38;
	[tilespmem:$0xC040] =	vst v63  }
.LBB2_10:
0x51: {  	_ =	sfence.sel $0x180000  }
0x52: {  	s2 =	simm.s32 $0x2;
	[bflag:$0x0] =	sbarrier.arrive $0xFFFF  }
0x53: {  	s30 =	simm.s32 $0x3;
	[sflag:s2] =	ssyncpa.u1 $0x1  }
0x54: {  	s31 =	simm.s32 $0x1;
	[sflag:s30] =	ssyncpa.u1 $0x1  }
0x55: {  	[sflag:s31] =	ssyncpa.u1 $0x1  }
0x56: {  	p0 =	sne.s32 s0, $0x0;
	_ =	strace $0x90000053  }
0x57: {  	s0 =	sadd.s32 @!p0 $0x100000, s1;
	[bflag:$0x2] =	sbarrier.arrive $0xFFFF  }
0x58: {  	[sflag:s0] =	ssyncadd.tile.s32 @!p0 $0x1;
	_ =	shalt  }
.Lfunc_end2:
_tile_overlayer_lowered:
.L_overlay_start_2:
0x59: {  	(tag) =	ssettag $0x2  }
0x5a: {  	s0 =	rddreg [dreg:$0x0];
	s2 =	stileid.u32  }
0x5b: {  	s1 =	rddreg [dreg:$0x1];
	p0 =	sne.s32 s2, $0x0  }
0x5c: {  	s3 =	rddreg [dreg:$0x2];
	[bflag:$0x3] =	sbarrier.arrive $0xFFFF;
	s2 =	simm.s32 @!p0 $0x1C01  }
0x5d: {  	[timem:s3], [sflag:s2] =	dma.local @!p0 [hbm:s0], s1  }
0x5e: {  	s0 =	simm.s32 @!p0 $0x1  }
0x5f: {  	_ =	swait.ge @!p0 [sflag:s0], s1  }
0x60: {  	s1 =	ssub.s32 @!p0 $0x0, s1;
	[sflag:s0] =	ssyncset.done @!p0 $0x0  }
0x61: {  	[sflag:s0] =	ssyncadd.s32 @!p0 s1  }
0x62: {  	[bflag:$0x3] =	sbarrier.arrive $0xFFFF  }
0x63: {  	_ =	shalt  }

// kernel: gather_offload_async_start
scs
__scs_entry_jumppad:
0x0: {  	(pc) =	sbr.rel $0x88, $3  }
0x1: {  	(tag) =	ssettag $0x0;
	lr =	simm.s32 $0x1  }
0x2: {  	[smem:$0x3F84] =	sst lr;
	_ =	strace $0xD0000000  }
0x3: {  	_ = 	snop  }
0x4: {  	_ = 	snop  }
0x5: {  	_ = 	snop  }
0x6: {  	_ = 	snop  }
0x7: {  	_ = 	snop  }
__scs_overlays_trampoline_lowered:
0x8: {  	[smem:$0x3F93] =	sst s0  }
0x9: {  	[smem:$0x3F94] =	sst s1  }
0xa: {  	[smem:$0x3F95] =	sst s2  }
0xb: {  	[smem:$0x3F96] =	sst s3  }
0xc: {  	[smem:$0x3F97] =	sst s4  }
0xd: {  	[smem:$0x3F98] =	sst s5  }
0xe: {  	[smem:$0x3F99] =	sst s6  }
0xf: {  	[smem:$0x3F9A] =	sst s7  }
0x10: {  	[smem:$0x3F9B] =	sst s8  }
0x11: {  	[smem:$0x3F9C] =	sst s9;
	s0 =	simm.s32 @!p0 $0x0  }
0x12: {  	s1 =	sld [smem:$0x3F82];
	s0 =	simm.s32 @p0 $0x1  }
0x13: {  	[smem:$0x3F9D] =	sst s0;
	s0 =	simm.s32 @!p1 $0x0  }
0x14: {  	s2 =	sld [smem:$0x3F81];
	s0 =	simm.s32 @p1 $0x1  }
0x15: {  	[smem:$0x3F9E] =	sst s0;
	s0 =	simm.s32 @!p2 $0x0  }
0x16: {  	s3 =	sld [smem:$0x3FDB];
	s0 =	simm.s32 @p2 $0x1  }
0x17: {  	s4 =	simm.s32 $0x1BF5;
	[smem:$0x3FA0] =	sst s0  }
0x18: {  	s0 =	sld [smem:$0x3F83];
	_ =	swait.ge [sflag:s4], $0x0  }
0x19: {  	s7 =	sld [smem:$0x3F84]  }
0x1a: {  	s8 =	sadd.s32 $0xFFFFE003, lr  }
0x1b: {  	s9 =	sadd.s32 $0xFFFFFEF7, lr;
	s5 =	simm.s32 $0xFFFFFFFF;
	p2 =	slt.u32 s8, $0xFFFFF086  }
0x1c: {  	p1 =	slt.u32 s9, $0xF7A;
	s5 =	simm.s32 @!p2 $0x0  }
0x1d: {  	s5 =	simm.s32 @p1 $0x1;
	p0 =	seq.s32 s7, s2  }
0x1e: {  	s7 =	smul.u32 @!p0 $0xF7A, s2;
	p2 =	seq.s32 @!p0 s5, $0x0  }
0x1f: {  	s9 =	smul.u32 $0xF7A, s1;
	s8 =	simm.s32 @!p0 $0x1BF5;
	p2 =	por !p2, p0  }
0x20: {  	[sflag:s8] =	ssyncset.s32 @!p0 $0xFFFFF086;
	s6 =	sadd.s32 @!p0 s3, s7;
	s7 =	simm.s32 @!p0 $0x108  }
0x21: {  	s3 =	sadd.s32 s3, s9;
	s6 =	sadd.s32 @!p0 $0x88, s6;
	s7 =	simm.s32 @p2 $0x1082  }
0x22: {  	[simem:s7], [sflag:s8] =	dma.local @!p0 [hbm:s6], $0xF7A  }
0x23: {  	s9 =	sor.u32 $0xD0000000, s2;
	s6 =	simm.s32 $0x108;
	_ =	swait.ge @!p0 [sflag:s8], $0x0  }
0x24: {  	s3 =	sadd.s32 $0x88, s3;
	s6 =	simm.s32 @!p1 $0x1082;
	[sflag:s4] =	ssyncset.s32 $0xFFFFF086  }
0x25: {  	[simem:s6], [sflag:s4] =	dma.local [hbm:s3], $0xF7A  }
0x26: {  	[smem:$0x3F84] =	sst s1;
	(tag) =	ssettag s2;
	_ =	strace s9  }
0x27: {  	s1 =	sld [smem:$0x3F94]  }
0x28: {  	s2 =	sld [smem:$0x3F95]  }
0x29: {  	s4 =	sld [smem:$0x3F97]  }
0x2a: {  	p0 =	seq.s32 s5, $0x0;
	s5 =	sld [smem:$0x3F98]  }
0x2b: {  	s6 =	sld [smem:$0x3F99]  }
0x2c: {  	s7 =	sld [smem:$0x3F9A]  }
0x2d: {  	s3 =	simm.s32 $0x108;
	s8 =	sld [smem:$0x3F9B]  }
0x2e: {  	s3 =	simm.s32 @!p0 $0x1082;
	s9 =	sld [smem:$0x3F9C]  }
0x2f: {  	lr =	sadd.s32 s0, s3;
	s0 =	sld [smem:$0x3F93]  }
0x30: {  	s3 =	sld [smem:$0x3F96]  }
0x31: {  	[smem:$0x3F9F] =	sst s10  }
0x32: {  	s10 =	sld [smem:$0x3F9D];
	_ =	sdelay $0x3  }
0x33: {  	p0 =	seq.s32 s10, $0x1;
	s10 =	sld [smem:$0x3F9F];
	_ =	sdelay $0x3  }
0x34: {  	[smem:$0x3F9F] =	sst s10  }
0x35: {  	s10 =	sld [smem:$0x3F9E];
	_ =	sdelay $0x3  }
0x36: {  	p1 =	seq.s32 s10, $0x1;
	s10 =	sld [smem:$0x3F9F];
	_ =	sdelay $0x3  }
0x37: {  	[smem:$0x3F9F] =	sst s10  }
0x38: {  	s10 =	sld [smem:$0x3FA0]  }
0x39: {  	_ = 	snop;
	(pc) =	sbr.ind lr, $3  }
0x3a: {  	_ = 	snop  }
0x3b: {  	_ = 	snop  }
0x3c: {  	p2 =	seq.s32 s10, $0x1;
	s10 =	sld [smem:$0x3F9F]  }
0x3d: {  	_ =	shalt  }
0x3e: {  	_ =	shalt  }
0x3f: {  	_ =	shalt  }
0x40: {  	_ =	shalt  }
0x41: {  	_ =	shalt  }
0x42: {  	_ =	shalt  }
0x43: {  	_ =	shalt  }
0x44: {  	_ =	shalt  }
0x45: {  	_ =	shalt  }
0x46: {  	_ =	shalt  }
0x47: {  	_ =	shalt  }
0x48: {  	_ =	shalt  }
0x49: {  	_ =	shalt  }
0x4a: {  	_ =	shalt  }
0x4b: {  	_ =	shalt  }
0x4c: {  	_ =	shalt  }
0x4d: {  	_ =	shalt  }
0x4e: {  	_ =	shalt  }
0x4f: {  	_ =	shalt  }
0x50: {  	_ =	shalt  }
0x51: {  	_ =	shalt  }
0x52: {  	_ =	shalt  }
0x53: {  	_ =	shalt  }
0x54: {  	_ =	shalt  }
0x55: {  	_ =	shalt  }
0x56: {  	_ =	shalt  }
0x57: {  	_ =	shalt  }
0x58: {  	_ =	shalt  }
0x59: {  	_ =	shalt  }
0x5a: {  	_ =	shalt  }
0x5b: {  	_ =	shalt  }
0x5c: {  	_ =	shalt  }
0x5d: {  	_ =	shalt  }
0x5e: {  	_ =	shalt  }
0x5f: {  	_ =	shalt  }
0x60: {  	_ =	shalt  }
0x61: {  	_ =	shalt  }
0x62: {  	_ =	shalt  }
0x63: {  	_ =	shalt  }
0x64: {  	_ =	shalt  }
0x65: {  	_ =	shalt  }
0x66: {  	_ =	shalt  }
0x67: {  	_ =	shalt  }
0x68: {  	_ =	shalt  }
0x69: {  	_ =	shalt  }
0x6a: {  	_ =	shalt  }
0x6b: {  	_ =	shalt  }
0x6c: {  	_ =	shalt  }
0x6d: {  	_ =	shalt  }
0x6e: {  	_ =	shalt  }
0x6f: {  	_ =	shalt  }
0x70: {  	_ =	shalt  }
0x71: {  	_ =	shalt  }
0x72: {  	_ =	shalt  }
0x73: {  	_ =	shalt  }
0x74: {  	_ =	shalt  }
0x75: {  	_ =	shalt  }
0x76: {  	_ =	shalt  }
0x77: {  	_ =	shalt  }
0x78: {  	_ =	shalt  }
0x79: {  	_ =	shalt  }
0x7a: {  	_ =	shalt  }
0x7b: {  	_ =	shalt  }
0x7c: {  	_ =	shalt  }
0x7d: {  	_ =	shalt  }
0x7e: {  	_ =	shalt  }
0x7f: {  	_ =	shalt  }
0x80: {  	_ =	shalt  }
0x81: {  	_ =	shalt  }
0x82: {  	_ =	shalt  }
0x83: {  	_ =	shalt  }
0x84: {  	_ =	shalt  }
0x85: {  	_ =	shalt  }
0x86: {  	_ =	shalt  }
0x87: {  	_ =	shalt  }
.Lfunc_end0:
.L_simem_size_0:
called_computation.1_lowered:
.L_overlay_start_0:
0x88: {  	s2 =	sld [smem:$0x3FD9]  }
0x89: {  	s3 =	sld [smem:$0x3FFE];
	_ =	sdelay $0x1  }
0x8a: {  	s1 =	srdreg.scid  }
0x8b: {  	s0 =	sand.u32 $0x1, s1  }
0x8c: {  	s14 =	sshll.u32 s0, $0xA;
	s2 =	sadd.s32 s3, s2  }
0x8d: {  	s2 =	sadd.s32 s2, s14  }
0x8e: {  	[smem:$0x3FAB] =	sst s2  }
0x8f: {  	_ = 	snop  }
0x90: {  	s2 =	sld [smem:$0x3FD0];
	_ =	sdelay $0x2  }
0x91: {  	s15 =	simm.s32 $0xB;
	s4 =	simm.s32 $0x10  }
0x92: {  	[smem:s4], [sflag:s15] =	dma.local [hbm:s2], $0x1  }
0x93: {  	_ =	swait.eq [sflag:s15], $0x1  }
0x94: {  	[sflag:s15] =	ssyncset.done $0x0  }
0x95: {  	[sflag:s15] =	ssyncadd.s32 $0xFFFFFFFF  }
0x96: {  	s16 =	sld [smem:$0x12];
	(tm) =	ssettm $0x1  }
0x97: {  	s17 =	sld [smem:$0x3FFB];
	_ =	sdelay $0x3  }
0x98: {  	_ =	strace s17  }
0x99: {  	s3 =	sld [smem:$0x3FFC];
	_ =	sdelay $0x3  }
0x9a: {  	_ =	strace s3  }
0x9b: {  	s3 =	sld [smem:$0x3FFD];
	_ =	sdelay $0x3  }
0x9c: {  	_ =	strace s3  }
0x9d: {  	_ =	strace $0x8FFFFFFF  }
0x9e: {  	s18 =	sld [smem:$0x3FDB];
	_ =	sdelay $0x1  }
0x9f: {  	s19 =	simm.s32 $_scs_section_size  }
0xa0: {  	s5 =	simm.s32 $_size__tile_overlayer_lowered;
	s6 =	simm.s32 $_tile_overlayer_lowered  }
0xa1: {  	s22 =	simm.s32 $0x1BFF;
	s21 =	sshll.u32 s6, $0x1;
	s3 =	sadd.s32 s19, s18  }
0xa2: {  	s7 =	simm.s32 $0x0;
	s20 =	sshll.u32 s5, $0x1;
	s5 =	sadd.s32 s21, s3  }
0xa3: {  	[timem:s7], [sflag:s22] =	dma.local [hbm:s5], s20  }
0xa4: {  	_ =	swait.ge [sflag:s22], s20  }
0xa5: {  	s4 =	ssub.s32 $0x0, s20;
	[sflag:s22] =	ssyncset.done $0x0  }
0xa6: {  	[sflag:s22] =	ssyncadd.s32 s4;
	_ =	sdelay $0x1  }
0xa7: {  	s23 =	simm.s32 $0x1B8B  }
0xa8: {  	_ =	swait.ge [sflag:s23], $0x1  }
0xa9: {  	[sflag:s23] =	ssyncset.done $0x0  }
0xaa: {  	s25 =	simm.s32 $0x1B8E;
	s24 =	sld [smem:$0x3FFE];
	[sflag:s23] =	ssyncadd.s32 $0xFFFFFFFF  }
0xab: {  	s26 =	simm.s32 $execute0_lowered;
	[smem:$0x3FD2] =	sst s25  }
0xac: {  	s5 =	sshll.u32 s26, $0x1;
	_ =	strace $0x80000058;
	[dreg:$0x1] =	wrdreg $0xFFFFFFFF  }
0xad: {  	s28 =	simm.s32 $_size_execute0_lowered;
	s3 =	sadd.s32 s3, s5;
	[dreg:$0x0] =	wrdreg $0x0  }
0xae: {  	s5 =	sshll.u32 s28, $0x1;
	[dreg:$0x2] =	wrdreg s3  }
0xaf: {  	[dreg:$0x3] =	wrdreg s5  }
0xb0: {  	[dreg:$0x4] =	wrdreg $0xC0  }
0xb1: {  	_ =	task [dreg:s7], $0x5FFFF  }
0xb2: {  	[dreg:$0x1] =	wrdreg $0xFFFFFFFF  }
0xb3: {  	[dreg:$0x0] =	wrdreg $0x60  }
0xb4: {  	[dreg:$0x2] =	wrdreg s16  }
0xb5: {  	[dreg:$0x3] =	wrdreg s24  }
0xb6: {  	[dreg:$0x4] =	wrdreg $0x9  }
0xb7: {  	_ =	task.clear_ibuf [dreg:s7], $0x5FFFF;
	_ =	strace $0x90000058  }
0xb8: {  	s29 =	simm.s32 $0x9;
	_ =	strace $0x8000005A  }
0xb9: {  	_ =	swait.ge [sflag:s29], $0x1  }
0xba: {  	[sflag:s29] =	ssyncadd.s32 $0xFFFFFFFF  }
0xbb: {  	_ =	strace $0x9000005A  }
0xbc: {  	_ =	sfence  }
0xbd: {  	s30 =	sld [smem:$0x0];
	_ =	sdelay $0x2  }
0xbe: {  	s31 =	sshll.u32 s1, $0xD;
	s1 =	sshrl.u32 s1, $0x2  }
0xbf: {  	s3 =	sand.u32 $0x4000, s31;
	s1 =	sadd.s32 s1, s30  }
0xc0: {  	s0 =	sor.u32 s3, s0;
	s1 =	sshll.u32 s1, $0x11  }
0xc1: {  	s0 =	sor.u32 s1, s0  }
0xc2: {  	s0 =	sadd.s32 $0x8F2B, s0  }
0xc3: {  	[sflag:s0] =	ssyncadd.remote.s32 $0x1  }
0xc4: {  	_ =	sfence.sel $0xFFFF  }
0xc5: {  	[dreg:$0x0] =	wrdreg $0xFFFFFFFF;
	(pc) =	sbr.abs _section_cstart, $3  }
0xc6: {  	[dreg:$0x1] =	wrdreg $0xFFFFFFFF  }
0xc7: {  	_ =	task.clear_ibuf [dreg:s7], $0x2FFFF;
	_ =	strace $0x9FFFFFFF  }
0xc8: {  	(tm) =	ssettm $0x7FFFFFFF  }
0xc9: {  	_ =	shalt  }
tec
execute0_lowered:
.L_overlay_start_1:
0x0: {  	(tag) =	ssettag $0x1  }
0x1: {  	s2 =	rddreg [dreg:$0x0];
	s0 =	srdreg.scid  }
0x2: {  	s5 =	rddreg [dreg:$0x1];
	s1 =	stileid.u32;
	s6 =	simm.s32 $0x1  }
0x3: {  	s9 =	simm.s32 $0x1;
	s10 =	simm.s32 $0x3;
	s3 =	sshll.u32 s0, $0x9  }
0x4: {  	s13 =	simm.s32 $0x0;
	s4 =	sshll.u32 s1, $0xA;
	s3 =	sand.u32 $0x200, s3  }
0x5: {  	s0 =	rddreg [dreg:$0x2];
	_ =	strace $0x80000059;
	s3 =	sor.u32 s4, s3  }
0x6: {  	s12 =	simm.s32 $0x0;
	[sflag:s6] =	ssyncpa.u1 $0x0;
	s8 =	ssub.s32 $0x5000, s3  }
.Ltmp0:
0x7: {  	s4 =	sadd.s32 $0x628800, s5;
	s7 =	sand.u32 $0x3E00, s8;
	(pc) =	sbr.rel .LBB2_1-.Ltmp0, $4  }
0x8: {  	s5 =	sadd.s32 $0x629200, s5;
	s11 =	smov.u32 s3;
	p0 =	sne.s32 s7, $0x0  }
0x9: {  	s8 =	sshrl.u32 s8, $0xE;
	s7 =	simm.s32 $0x2;
	s9 =	simm.s32 @!p0 $0x0  }
0xa: {  	[sflag:s7] =	ssyncpa.u1 $0x0;
	p0 =	por $0x0, $0x0;
	s8 =	sadd.s32 s9, s8  }
0xb: {  	vm0 =	vmmov $0xffff;
	[sflag:s10] =	ssyncpa.u1 $0x0;
	s10 =	simm.s32 $0x0;
	s9 =	sadd.s32 $0x1, s8  }
.LBB2_4:
0xc: {  	vm1 =	veq.s32 v0, $0x80000000;
	v63 =	vand.u32 $0xFF, v0;
	v2 =	vand.u32 $0x1FF, v2  }
0xd: {  	v0 =	vsel vm1, $0xFFFFFFFF, v63;
	v2 =	vsel vm1, $0xFFFFFFFF, v2  }
0xe: {  	v3 =	vshll.u32 v2, $0x8;
	v4 =	vshll.u32 v0, $0x3  }
0xf: {  	v2 =	vshll.u32 v2, $0x7;
	v3 =	vand.u32 $0xFFFFF800, v3;
	v4 =	vand.u32 $0xFFFFFC00, v4  }
0x10: {  	v2 =	vand.u32 $0x380, v2;
	v3 =	vadd.s32 v4, v3  }
0x11: {  	v0 =	vand.u32 $0x7F, v0;
	v2 =	vor.u32 v2, v3  }
0x12: {  	v0 =	vor.u32 v0, v2;
	_ =	sdelay $0x1  }
0x13: {  	(ifvalue) =	ssetifvalue $0x7FFFFFFF;
	s14 =	sadd.s32 $0x10, s14  }
0x14: {  	[tilespmem:s14], [sflag:$0x1] =	stream.indirect_vreg.gather [hbm4b:s2+s10], $0x1, v1, vm0, $0x4038;
	[tilespmem:$0x800] =	vst v63  }
0x15: {  	(ifvalue) =	ssetifvalue $0x7FFFFFFF;
	s14 =	sadd.s32 $0x10, s14  }
0x16: {  	[tilespmem:s14], [sflag:$0x1] =	stream.indirect_vreg.gather [hbm4b:s2+s10], $0x1, v0, vm0, $0x4038;
	[tilespmem:$0x800] =	vst v63  }
0x17: {  	_ =	swait.ge [sflag:s6], $0x200  }
0x18: {  	s30 =	sshrl.u32 s13, $0x3;
	[sflag:s6] =	ssyncset.done $0x0  }
0x19: {  	s31 =	sand.u32 $0x7, s13;
	s14 =	sadd.s32 s5, s30;
	[sflag:s6] =	ssyncadd.s32 $0xFFFFFE00  }
0x1a: {  	[hbm4b:s14+s31] =	stream.linear.scatter [tilespmem:s15], [sflag:$0x3], $0x200, $0x38;
	[tilespmem:$0x800] =	vst v63  }
.LBB2_5:
0x1b: {  	s15 =	sadd.s32 $0x4000, s11  }
0x1c: {  	p2 =	sgt.s32 s15, $0x4FFF  }
0x1d: {  	s15 =	smov.u32 @p2 s3;
	p2 =	sne.s32 s12, s9  }
.Ltmp1:
0x1e: {  	p1 =	slt.u32 s12, $0x2;
	(pc) =	sbr.rel @!p2 .LBB2_6-.Ltmp1, $4  }
0x1f: {  	s14 =	simm.s32 @!p1 $0x3  }
0x20: {  	s16 =	sadd.s32 $0x1, s12;
	_ =	swait.ge @!p1 [sflag:s14], $0x200  }
0x21: {  	s13 =	smov.u32 s11;
	p0 =	por !p0, !p0;
	[sflag:s14] =	ssyncset.done @!p1 $0x0  }
0x22: {  	s12 =	smov.u32 s16;
	s11 =	smov.u32 s15;
	[sflag:s14] =	ssyncadd.s32 @!p1 $0xFFFFFE00  }
.LBB2_1:
0x23: {  	p1 =	sge.u32 s12, s8  }
0x24: {  	s14 =	sxor.u32 @!p1 $0xFFFFFFFF, s12  }
0x25: {  	s31 =	sadd.s32 $0xFFFFFFFF, s12;
	s15 =	sshrl.u32 @!p1 s11, $0x3;
	s14 =	sshll.u32 @!p1 s14, $0x9  }
0x26: {  	s16 =	sand.u32 @!p1 $0x7, s11;
	s15 =	sadd.s32 @!p1 s4, s15;
	s14 =	sand.u32 @!p1 $0x200, s14  }
0x27: {  	[tilespmem:s14], [sflag:$0x2] =	stream.linear.gather @!p1 [hbm4b:s15+s16], $0x200, $0x38;
	[tilespmem:$0x800] =	vst v63  }
0x28: {  	p1 =	sge.u32 s31, s8  }
.Ltmp2:
0x29: {  	_ = 	snop;
	(pc) =	sbr.rel @p1 .LBB2_5-.Ltmp2, $1  }
0x2a: {  	_ =	sdelay $0x3  }
0x2b: {  	s14 =	simm.s32 $0x1  }
0x2c: {  	_ =	swait.ge [sflag:s7], $0x200;
	s14 =	simm.s32 @!p0 $0x0  }
0x2d: {  	[sflag:s7] =	ssyncset.done $0x0;
	s14 =	sshll.u32 s14, $0x9  }
0x2e: {  	[sflag:s7] =	ssyncadd.s32 $0xFFFFFE00;
	(ifvalue) =	ssetifvalue $0x7FFFFFFF;
	v0 =	vld.msk [tilespmem:s14+$0x0 ss:$0x1], $0xffff;
	_ =	sdelay $0x4  }
0x2f: {  	s15 =	sadd.s32 $0x10, s14;
	v1 =	vshrl.u32 v0, $0x8  }
0x30: {  	v2 =	vld.msk [tilespmem:s15+$0x0 ss:$0x1], $0xffff;
	vm1 =	veq.s32 v0, $0x80000000;
	v0 =	vand.u32 $0xFF, v0;
	v1 =	vand.u32 $0x1FF, v1  }
0x31: {  	v0 =	vsel vm1, $0xFFFFFFFF, v0;
	v1 =	vsel vm1, $0xFFFFFFFF, v1  }
0x32: {  	v4 =	vshll.u32 v0, $0x3;
	v3 =	vshll.u32 v1, $0x8  }
0x33: {  	v4 =	vand.u32 $0xFFFFFC00, v4;
	v1 =	vshll.u32 v1, $0x7;
	v3 =	vand.u32 $0xFFFFF800, v3  }
0x34: {  	v0 =	vand.u32 $0x7F, v0;
	v1 =	vand.u32 $0x380, v1;
	v3 =	vadd.s32 v4, v3  }
0x35: {  	vm1 =	veq.s32 v2, $0x80000000;
	v1 =	vor.u32 v1, v3;
	v3 =	vshrl.u32 v2, $0x8  }
0x36: {  	s17 =	sadd.s32 $0x10, s15;
	v2 =	vand.u32 $0xFF, v2;
	v1 =	vor.u32 v0, v1;
	v3 =	vand.u32 $0x1FF, v3  }
0x37: {  	v0 =	vld.msk [tilespmem:s17+$0x0 ss:$0x1], $0xffff;
	v2 =	vsel vm1, $0xFFFFFFFF, v2;
	v3 =	vsel vm1, $0xFFFFFFFF, v3  }
0x38: {  	v5 =	vshll.u32 v2, $0x3;
	v63 =	vshll.u32 v3, $0x8  }
0x39: {  	s31 =	sshll.u32 s12, $0x9;
	v5 =	vand.u32 $0xFFFFFC00, v5;
	v3 =	vshll.u32 v3, $0x7;
	v4 =	vand.u32 $0xFFFFF800, v63  }
0x3a: {  	s14 =	sor.u32 $0x400, s14;
	s15 =	sand.u32 $0x200, s31;
	(ifvalue) =	ssetifvalue $0x7FFFFFFF;
	v3 =	vand.u32 $0x380, v3;
	v4 =	vadd.s32 v5, v4  }
0x3b: {  	[tilespmem:s14], [sflag:$0x1] =	stream.indirect_vreg.gather [hbm4b:s2+s10], $0x1, v1, vm0, $0x4038;
	v1 =	vand.u32 $0x7F, v2;
	v3 =	vor.u32 v3, v4;
	[tilespmem:$0x800] =	vst v63  }
0x3c: {  	s16 =	simm.s32 $0x20;
	s15 =	sor.u32 $0x400, s15;
	s17 =	sadd.s32 $0x10, s17;
	v2 =	vshrl.u32 v0, $0x8;
	v1 =	vor.u32 v1, v3  }
.LBB2_3:
0x3d: {  	s16 =	sadd.s32 $0x10, s16;
	vm1 =	veq.s32 v0, $0x80000000;
	v3 =	vand.u32 $0xFF, v0;
	v0 =	vld.msk [tilespmem:s17+$0x0 ss:$0x1], $0xffff;
	v2 =	vand.u32 $0x1FF, v2  }
0x3e: {  	p1 =	slt.u32 s16, $0x1F0;
	v3 =	vsel vm1, $0xFFFFFFFF, v3;
	v2 =	vsel vm1, $0xFFFFFFFF, v2  }
.Ltmp3:
0x3f: {  	v4 =	vshll.u32 v2, $0x8;
	v5 =	vshll.u32 v3, $0x3;
	(pc) =	sbr.rel @p1 .LBB2_3-.Ltmp3, $4  }
0x40: {  	s14 =	sadd.s32 $0x10, s14;
	v2 =	vshll.u32 v2, $0x7;
	v4 =	vand.u32 $0xFFFFF800, v4;
	v5 =	vand.u32 $0xFFFFFC00, v5;
	(ifvalue) =	ssetifvalue $0x7FFFFFFF  }
0x41: {  	v2 =	vand.u32 $0x380, v2;
	v4 =	vadd.s32 v5, v4;
	[tilespmem:s14], [sflag:$0x1] =	stream.indirect_vreg.gather [hbm4b:s2+s10], $0x1, v1, vm0, $0x4038;
	[tilespmem:$0x800] =	vst v63  }
0x42: {  	v1 =	vand.u32 $0x7F, v3;
	v3 =	vor.u32 v2, v4  }
0x43: {  	s17 =	sadd.s32 $0x10, s17;
	v2 =	vshrl.u32 v0, $0x8;
	v1 =	vor.u32 v1, v3  }
.Ltmp4:
0x44: {  	_ = 	snop;
	(pc) =	sbr.rel .LBB2_4-.Ltmp4, $1  }
0x45: {  	_ =	sdelay $0x3  }
.LBB2_6:
0x46: {  	_ =	sfence.sel $0x180000  }
0x47: {  	s2 =	simm.s32 $0x2;
	[bflag:$0x0] =	sbarrier.arrive $0xFFFF  }
0x48: {  	s30 =	simm.s32 $0x3;
	[sflag:s2] =	ssyncpa.u1 $0x1  }
0x49: {  	s31 =	simm.s32 $0x1;
	[sflag:s30] =	ssyncpa.u1 $0x1  }
0x4a: {  	[sflag:s31] =	ssyncpa.u1 $0x1  }
0x4b: {  	p0 =	sne.s32 s1, $0x0;
	_ =	strace $0x90000059  }
0x4c: {  	s0 =	sadd.s32 @!p0 $0x100000, s0;
	[bflag:$0x2] =	sbarrier.arrive $0xFFFF  }
0x4d: {  	[sflag:s0] =	ssyncadd.tile.s32 @!p0 $0x1;
	_ =	shalt  }
.Lfunc_end2:
_tile_overlayer_lowered:
.L_overlay_start_2:
0x4e: {  	(tag) =	ssettag $0x2  }
0x4f: {  	s0 =	rddreg [dreg:$0x0];
	s2 =	stileid.u32  }
0x50: {  	s1 =	rddreg [dreg:$0x1];
	p0 =	sne.s32 s2, $0x0  }
0x51: {  	s3 =	rddreg [dreg:$0x2];
	[bflag:$0x3] =	sbarrier.arrive $0xFFFF;
	s2 =	simm.s32 @!p0 $0x1C01  }
0x52: {  	[timem:s3], [sflag:s2] =	dma.local @!p0 [hbm:s0], s1  }
0x53: {  	s0 =	simm.s32 @!p0 $0x1  }
0x54: {  	_ =	swait.ge @!p0 [sflag:s0], s1  }
0x55: {  	s1 =	ssub.s32 @!p0 $0x0, s1;
	[sflag:s0] =	ssyncset.done @!p0 $0x0  }
0x56: {  	[sflag:s0] =	ssyncadd.s32 @!p0 s1  }
0x57: {  	[bflag:$0x3] =	sbarrier.arrive $0xFFFF  }
0x58: {  	_ =	shalt  }

// kernel: kernel.5.cloned.1.call-start
scs
__scs_entry_jumppad:
0x0: {  	(pc) =	sbr.rel $0x88, $3  }
0x1: {  	(tag) =	ssettag $0x0;
	lr =	simm.s32 $0x1  }
0x2: {  	[smem:$0x3F84] =	sst lr;
	_ =	strace $0xD0000000  }
0x3: {  	_ = 	snop  }
0x4: {  	_ = 	snop  }
0x5: {  	_ = 	snop  }
0x6: {  	_ = 	snop  }
0x7: {  	_ = 	snop  }
__scs_overlays_trampoline_lowered:
0x8: {  	[smem:$0x3F93] =	sst s0  }
0x9: {  	[smem:$0x3F94] =	sst s1  }
0xa: {  	[smem:$0x3F95] =	sst s2  }
0xb: {  	[smem:$0x3F96] =	sst s3  }
0xc: {  	[smem:$0x3F97] =	sst s4  }
0xd: {  	[smem:$0x3F98] =	sst s5  }
0xe: {  	[smem:$0x3F99] =	sst s6  }
0xf: {  	[smem:$0x3F9A] =	sst s7  }
0x10: {  	[smem:$0x3F9B] =	sst s8  }
0x11: {  	[smem:$0x3F9C] =	sst s9;
	s0 =	simm.s32 @!p0 $0x0  }
0x12: {  	s1 =	sld [smem:$0x3F82];
	s0 =	simm.s32 @p0 $0x1  }
0x13: {  	[smem:$0x3F9D] =	sst s0;
	s0 =	simm.s32 @!p1 $0x0  }
0x14: {  	s2 =	sld [smem:$0x3F81];
	s0 =	simm.s32 @p1 $0x1  }
0x15: {  	[smem:$0x3F9E] =	sst s0;
	s0 =	simm.s32 @!p2 $0x0  }
0x16: {  	s3 =	sld [smem:$0x3FDB];
	s0 =	simm.s32 @p2 $0x1  }
0x17: {  	s4 =	simm.s32 $0x1BF5;
	[smem:$0x3FA0] =	sst s0  }
0x18: {  	s0 =	sld [smem:$0x3F83];
	_ =	swait.ge [sflag:s4], $0x0  }
0x19: {  	s7 =	sld [smem:$0x3F84]  }
0x1a: {  	s8 =	sadd.s32 $0xFFFFE003, lr  }
0x1b: {  	s9 =	sadd.s32 $0xFFFFFEF7, lr;
	s5 =	simm.s32 $0xFFFFFFFF;
	p2 =	slt.u32 s8, $0xFFFFF086  }
0x1c: {  	p1 =	slt.u32 s9, $0xF7A;
	s5 =	simm.s32 @!p2 $0x0  }
0x1d: {  	s5 =	simm.s32 @p1 $0x1;
	p0 =	seq.s32 s7, s2  }
0x1e: {  	s7 =	smul.u32 @!p0 $0xF7A, s2;
	p2 =	seq.s32 @!p0 s5, $0x0  }
0x1f: {  	s9 =	smul.u32 $0xF7A, s1;
	s8 =	simm.s32 @!p0 $0x1BF5;
	p2 =	por !p2, p0  }
0x20: {  	[sflag:s8] =	ssyncset.s32 @!p0 $0xFFFFF086;
	s6 =	sadd.s32 @!p0 s3, s7;
	s7 =	simm.s32 @!p0 $0x108  }
0x21: {  	s3 =	sadd.s32 s3, s9;
	s6 =	sadd.s32 @!p0 $0x88, s6;
	s7 =	simm.s32 @p2 $0x1082  }
0x22: {  	[simem:s7], [sflag:s8] =	dma.local @!p0 [hbm:s6], $0xF7A  }
0x23: {  	s9 =	sor.u32 $0xD0000000, s2;
	s6 =	simm.s32 $0x108;
	_ =	swait.ge @!p0 [sflag:s8], $0x0  }
0x24: {  	s3 =	sadd.s32 $0x88, s3;
	s6 =	simm.s32 @!p1 $0x1082;
	[sflag:s4] =	ssyncset.s32 $0xFFFFF086  }
0x25: {  	[simem:s6], [sflag:s4] =	dma.local [hbm:s3], $0xF7A  }
0x26: {  	[smem:$0x3F84] =	sst s1;
	(tag) =	ssettag s2;
	_ =	strace s9  }
0x27: {  	s1 =	sld [smem:$0x3F94]  }
0x28: {  	s2 =	sld [smem:$0x3F95]  }
0x29: {  	s4 =	sld [smem:$0x3F97]  }
0x2a: {  	p0 =	seq.s32 s5, $0x0;
	s5 =	sld [smem:$0x3F98]  }
0x2b: {  	s6 =	sld [smem:$0x3F99]  }
0x2c: {  	s7 =	sld [smem:$0x3F9A]  }
0x2d: {  	s3 =	simm.s32 $0x108;
	s8 =	sld [smem:$0x3F9B]  }
0x2e: {  	s3 =	simm.s32 @!p0 $0x1082;
	s9 =	sld [smem:$0x3F9C]  }
0x2f: {  	lr =	sadd.s32 s0, s3;
	s0 =	sld [smem:$0x3F93]  }
0x30: {  	s3 =	sld [smem:$0x3F96]  }
0x31: {  	[smem:$0x3F9F] =	sst s10  }
0x32: {  	s10 =	sld [smem:$0x3F9D];
	_ =	sdelay $0x3  }
0x33: {  	p0 =	seq.s32 s10, $0x1;
	s10 =	sld [smem:$0x3F9F];
	_ =	sdelay $0x3  }
0x34: {  	[smem:$0x3F9F] =	sst s10  }
0x35: {  	s10 =	sld [smem:$0x3F9E];
	_ =	sdelay $0x3  }
0x36: {  	p1 =	seq.s32 s10, $0x1;
	s10 =	sld [smem:$0x3F9F];
	_ =	sdelay $0x3  }
0x37: {  	[smem:$0x3F9F] =	sst s10  }
0x38: {  	s10 =	sld [smem:$0x3FA0]  }
0x39: {  	_ = 	snop;
	(pc) =	sbr.ind lr, $3  }
0x3a: {  	_ = 	snop  }
0x3b: {  	_ = 	snop  }
0x3c: {  	p2 =	seq.s32 s10, $0x1;
	s10 =	sld [smem:$0x3F9F]  }
0x3d: {  	_ =	shalt  }
0x3e: {  	_ =	shalt  }
0x3f: {  	_ =	shalt  }
0x40: {  	_ =	shalt  }
0x41: {  	_ =	shalt  }
0x42: {  	_ =	shalt  }
0x43: {  	_ =	shalt  }
0x44: {  	_ =	shalt  }
0x45: {  	_ =	shalt  }
0x46: {  	_ =	shalt  }
0x47: {  	_ =	shalt  }
0x48: {  	_ =	shalt  }
0x49: {  	_ =	shalt  }
0x4a: {  	_ =	shalt  }
0x4b: {  	_ =	shalt  }
0x4c: {  	_ =	shalt  }
0x4d: {  	_ =	shalt  }
0x4e: {  	_ =	shalt  }
0x4f: {  	_ =	shalt  }
0x50: {  	_ =	shalt  }
0x51: {  	_ =	shalt  }
0x52: {  	_ =	shalt  }
0x53: {  	_ =	shalt  }
0x54: {  	_ =	shalt  }
0x55: {  	_ =	shalt  }
0x56: {  	_ =	shalt  }
0x57: {  	_ =	shalt  }
0x58: {  	_ =	shalt  }
0x59: {  	_ =	shalt  }
0x5a: {  	_ =	shalt  }
0x5b: {  	_ =	shalt  }
0x5c: {  	_ =	shalt  }
0x5d: {  	_ =	shalt  }
0x5e: {  	_ =	shalt  }
0x5f: {  	_ =	shalt  }
0x60: {  	_ =	shalt  }
0x61: {  	_ =	shalt  }
0x62: {  	_ =	shalt  }
0x63: {  	_ =	shalt  }
0x64: {  	_ =	shalt  }
0x65: {  	_ =	shalt  }
0x66: {  	_ =	shalt  }
0x67: {  	_ =	shalt  }
0x68: {  	_ =	shalt  }
0x69: {  	_ =	shalt  }
0x6a: {  	_ =	shalt  }
0x6b: {  	_ =	shalt  }
0x6c: {  	_ =	shalt  }
0x6d: {  	_ =	shalt  }
0x6e: {  	_ =	shalt  }
0x6f: {  	_ =	shalt  }
0x70: {  	_ =	shalt  }
0x71: {  	_ =	shalt  }
0x72: {  	_ =	shalt  }
0x73: {  	_ =	shalt  }
0x74: {  	_ =	shalt  }
0x75: {  	_ =	shalt  }
0x76: {  	_ =	shalt  }
0x77: {  	_ =	shalt  }
0x78: {  	_ =	shalt  }
0x79: {  	_ =	shalt  }
0x7a: {  	_ =	shalt  }
0x7b: {  	_ =	shalt  }
0x7c: {  	_ =	shalt  }
0x7d: {  	_ =	shalt  }
0x7e: {  	_ =	shalt  }
0x7f: {  	_ =	shalt  }
0x80: {  	_ =	shalt  }
0x81: {  	_ =	shalt  }
0x82: {  	_ =	shalt  }
0x83: {  	_ =	shalt  }
0x84: {  	_ =	shalt  }
0x85: {  	_ =	shalt  }
0x86: {  	_ =	shalt  }
0x87: {  	_ =	shalt  }
.Lfunc_end0:
.L_simem_size_0:
called_computation.7_lowered:
.L_overlay_start_0:
0x88: {  	s2 =	sld [smem:$0x3FD9]  }
0x89: {  	s3 =	sld [smem:$0x3FFE];
	_ =	sdelay $0x1  }
0x8a: {  	s1 =	srdreg.scid  }
0x8b: {  	s0 =	sand.u32 $0x1, s1  }
0x8c: {  	s14 =	sshll.u32 s0, $0xA;
	s2 =	sadd.s32 s3, s2  }
0x8d: {  	s2 =	sadd.s32 s2, s14  }
0x8e: {  	[smem:$0x3FAB] =	sst s2  }
0x8f: {  	_ = 	snop  }
0x90: {  	s2 =	sld [smem:$0x3FD0];
	_ =	sdelay $0x2  }
0x91: {  	s4 =	simm.s32 $0xB;
	s5 =	simm.s32 $0x10;
	s15 =	sld [smem:$0x3FAD]  }
0x92: {  	[smem:s5], [sflag:s4] =	dma.local [hbm:s2], $0x1  }
0x93: {  	_ =	swait.eq [sflag:s4], $0x1  }
0x94: {  	[sflag:s4] =	ssyncset.done $0x0  }
0x95: {  	[sflag:s4] =	ssyncadd.s32 $0xFFFFFFFF  }
0x96: {  	s16 =	sld [smem:$0x12];
	(tm) =	ssettm $0x1  }
0x97: {  	s17 =	sld [smem:$0x3FFB];
	_ =	sdelay $0x3  }
0x98: {  	_ =	strace s17  }
0x99: {  	s4 =	sld [smem:$0x3FFC];
	_ =	sdelay $0x3  }
0x9a: {  	_ =	strace s4  }
0x9b: {  	s4 =	sld [smem:$0x3FFD];
	_ =	sdelay $0x3  }
0x9c: {  	_ =	strace s4  }
0x9d: {  	_ =	strace $0x8FFFFFFF  }
0x9e: {  	s18 =	sld [smem:$0x3FDB];
	_ =	sdelay $0x1  }
0x9f: {  	s19 =	simm.s32 $_scs_section_size  }
0xa0: {  	s6 =	simm.s32 $_size__tile_overlayer_lowered;
	s7 =	simm.s32 $_tile_overlayer_lowered  }
0xa1: {  	s22 =	simm.s32 $0x1BFF;
	s21 =	sshll.u32 s7, $0x1;
	s4 =	sadd.s32 s19, s18  }
0xa2: {  	s8 =	simm.s32 $0x0;
	s20 =	sshll.u32 s6, $0x1;
	s6 =	sadd.s32 s21, s4  }
0xa3: {  	[timem:s8], [sflag:s22] =	dma.local [hbm:s6], s20  }
0xa4: {  	_ =	swait.ge [sflag:s22], s20  }
0xa5: {  	s5 =	ssub.s32 $0x0, s20;
	[sflag:s22] =	ssyncset.done $0x0  }
0xa6: {  	[sflag:s22] =	ssyncadd.s32 s5;
	_ =	sdelay $0x1  }
0xa7: {  	s23 =	simm.s32 $0x1B8B  }
0xa8: {  	_ =	swait.ge [sflag:s23], $0x1  }
0xa9: {  	[sflag:s23] =	ssyncset.done $0x0  }
0xaa: {  	s25 =	simm.s32 $0x1B8E;
	s24 =	sld [smem:$0x3FFE];
	[sflag:s23] =	ssyncadd.s32 $0xFFFFFFFF  }
0xab: {  	s26 =	simm.s32 $execute0_lowered;
	[smem:$0x3FD2] =	sst s25  }
0xac: {  	s6 =	sshll.u32 s26, $0x1;
	_ =	strace $0x80000055;
	[dreg:$0x1] =	wrdreg $0xFFFFFFFF  }
0xad: {  	s28 =	simm.s32 $_size_execute0_lowered;
	s4 =	sadd.s32 s4, s6;
	[dreg:$0x0] =	wrdreg $0x0  }
0xae: {  	s6 =	sshll.u32 s28, $0x1;
	[dreg:$0x2] =	wrdreg s4  }
0xaf: {  	[dreg:$0x3] =	wrdreg s6  }
0xb0: {  	[dreg:$0x4] =	wrdreg $0xC0  }
0xb1: {  	_ =	task [dreg:s8], $0x5FFFF  }
0xb2: {  	[dreg:$0x1] =	wrdreg $0xFFFFFFFF  }
0xb3: {  	[dreg:$0x0] =	wrdreg $0x60  }
0xb4: {  	[dreg:$0x2] =	wrdreg s15  }
0xb5: {  	[dreg:$0x3] =	wrdreg s24  }
0xb6: {  	[dreg:$0x4] =	wrdreg s16  }
0xb7: {  	[dreg:$0x5] =	wrdreg $0x9  }
0xb8: {  	_ =	task.clear_ibuf [dreg:s8], $0x6FFFF;
	_ =	strace $0x90000055  }
0xb9: {  	s29 =	simm.s32 $0x9;
	_ =	strace $0x80000057  }
0xba: {  	_ =	swait.ge [sflag:s29], $0x1  }
0xbb: {  	[sflag:s29] =	ssyncadd.s32 $0xFFFFFFFF  }
0xbc: {  	_ =	strace $0x90000057  }
0xbd: {  	_ =	sfence  }
0xbe: {  	s30 =	sld [smem:$0x0];
	_ =	sdelay $0x2  }
0xbf: {  	s31 =	sshll.u32 s1, $0xD;
	s1 =	sshrl.u32 s1, $0x2  }
0xc0: {  	s3 =	sand.u32 $0x4000, s31;
	s1 =	sadd.s32 s1, s30  }
0xc1: {  	s0 =	sor.u32 s3, s0;
	s1 =	sshll.u32 s1, $0x11  }
0xc2: {  	s0 =	sor.u32 s1, s0  }
0xc3: {  	s0 =	sadd.s32 $0x8F2B, s0  }
0xc4: {  	[sflag:s0] =	ssyncadd.remote.s32 $0x1  }
0xc5: {  	_ =	sfence.sel $0xFFFF  }
0xc6: {  	[dreg:$0x0] =	wrdreg $0xFFFFFFFF;
	(pc) =	sbr.abs _section_cstart, $3  }
0xc7: {  	[dreg:$0x1] =	wrdreg $0xFFFFFFFF  }
0xc8: {  	_ =	task.clear_ibuf [dreg:s8], $0x2FFFF;
	_ =	strace $0x9FFFFFFF  }
0xc9: {  	(tm) =	ssettm $0x7FFFFFFF  }
tec
execute0_lowered:
.L_overlay_start_1:
0x0: {  	(tag) =	ssettag $0x1  }
0x1: {  	s1 =	rddreg [dreg:$0x0]  }
0x2: {  	s4 =	rddreg [dreg:$0x1];
	s2 =	srdreg.scid  }
0x3: {  	s0 =	stileid.u32;
	s7 =	rddreg [dreg:$0x2];
	s11 =	simm.s32 $0x880  }
0x4: {  	s12 =	simm.s32 $0x1080;
	s13 =	simm.s32 $0x1880;
	s14 =	simm.s32 $0x2080  }
0x5: {  	s15 =	simm.s32 $0x2880;
	s16 =	simm.s32 $0x3080;
	s17 =	simm.s32 $0x3880  }
0x6: {  	s18 =	simm.s32 $0x4080;
	s19 =	simm.s32 $0x4880;
	s20 =	simm.s32 $0x5080  }
0x7: {  	s21 =	simm.s32 $0x5880;
	s22 =	simm.s32 $0x6080;
	s23 =	simm.s32 $0x6880  }
0x8: {  	s24 =	simm.s32 $0x7080;
	s5 =	sand.u32 $0x1, s2;
	s3 =	sshll.u32 s0, $0x1  }
0x9: {  	s25 =	simm.s32 $0x1;
	s2 =	rddreg [dreg:$0x3];
	s6 =	sor.u32 s5, s3  }
0xa: {  	s3 =	simm.s32 $0x0;
	s5 =	ssub.s32 $0x2, s5;
	s8 =	smul.u32 $0x5, s6  }
0xb: {  	[smem:$0x7FF] =	sst s3;
	s9 =	sshrl.u32 s5, $0x1;
	s10 =	smul.u32 $0xF00, s6  }
0xc: {  	v2 =	vlaneseq.u32;
	s6 =	sadd.s32 $0x200, s1;
	_ =	strace $0x80000056;
	s9 =	ssub.s32 s5, s9  }
0xd: {  	vm0 =	vmmov $0xffff;
	v1 =	vshrl.u32 v2, $0x3;
	s5 =	sadd.s32 $0x100, s1;
	s4 =	sadd.s32 s4, s8;
	s7 =	sadd.s32 s7, s10  }
0xe: {  	v0 =	vand.u32 $0x7, v2;
	v2 =	vor.u32 $0x8, v2;
	v1 =	vmul.u32 $0x8, v1;
	s8 =	smax.u32 s9, $0x1;
	s9 =	simm.s32 $0x2;
	s10 =	simm.s32 $0x80  }
.LBB2_1:
0xf: {  	[tilespmem:s3], [sflag:$0x2] =	stream.linear.gather [hbm4b:s4+s3], $0x28, $0x38;
	[tilespmem:$0x7880] =	vst v63  }
0x10: {  	_ =	swait.ge [sflag:s9], $0x28  }
0x11: {  	[sflag:s9] =	ssyncset.done $0x0  }
0x12: {  	[sflag:s9] =	ssyncadd.s32 $0xFFFFFFD8  }
0x13: {  	v3 =	vld [tilespmem:$0x0];
	_ =	sdelay $0x4  }
0x14: {  	v4 =	vshrl.u32 v3, $0x3  }
0x15: {  	v4 =	vmul.u32 $0x30, v4  }
0x16: {  	v3 =	vand.u32 $0x7, v3  }
0x17: {  	v3 =	vor.u32 v3, v4  }
0x18: {  	v4 =	vperm.xlane v3, v0;
	_ =	sdelay $0x1  }
0x19: {  	v4 =	vadd.s32 v1, v4;
	_ =	sdelay $0x3  }
0x1a: {  	v3 =	vperm.xlane v3, v2  }
0x1b: {  	[tilespmem:s10], [sflag:$0x1] =	stream.indirect_vreg.gather [hbm4b:s1+s3], $0x80, v4, vm0, $0xb8;
	[tilespmem:$0x7880] =	vst v63  }
0x1c: {  	v3 =	vadd.s32 v1, v3  }
0x1d: {  	[tilespmem:s11], [sflag:$0x1] =	stream.indirect_vreg.gather [hbm4b:s5+s3], $0x80, v4, vm0, $0xb8;
	[tilespmem:$0x7880] =	vst v63  }
0x1e: {  	_ = 	snop  }
0x1f: {  	[tilespmem:s12], [sflag:$0x1] =	stream.indirect_vreg.gather [hbm4b:s6+s3], $0x80, v4, vm0, $0xb8;
	[tilespmem:$0x7880] =	vst v63  }
0x20: {  	_ = 	snop  }
0x21: {  	[tilespmem:s13], [sflag:$0x1] =	stream.indirect_vreg.gather [hbm4b:s1+s3], $0x80, v3, vm0, $0xb8;
	[tilespmem:$0x7880] =	vst v63  }
0x22: {  	_ = 	snop  }
0x23: {  	[tilespmem:s14], [sflag:$0x1] =	stream.indirect_vreg.gather [hbm4b:s5+s3], $0x80, v3, vm0, $0xb8;
	[tilespmem:$0x7880] =	vst v63  }
0x24: {  	_ = 	snop  }
0x25: {  	[tilespmem:s15], [sflag:$0x1] =	stream.indirect_vreg.gather [hbm4b:s6+s3], $0x80, v3, vm0, $0xb8;
	[tilespmem:$0x7880] =	vst v63  }
0x26: {  	v3 =	vld [tilespmem:$0x10];
	_ =	sdelay $0x4  }
0x27: {  	v62 =	vshrl.u32 v3, $0x3  }
0x28: {  	v4 =	vmul.u32 $0x30, v62  }
0x29: {  	v3 =	vand.u32 $0x7, v3  }
0x2a: {  	v3 =	vor.u32 v3, v4  }
0x2b: {  	v4 =	vperm.xlane v3, v0;
	_ =	sdelay $0x1  }
0x2c: {  	v4 =	vadd.s32 v1, v4;
	_ =	sdelay $0x3  }
0x2d: {  	v3 =	vperm.xlane v3, v2  }
0x2e: {  	[tilespmem:s16], [sflag:$0x1] =	stream.indirect_vreg.gather [hbm4b:s1+s3], $0x80, v4, vm0, $0xb8;
	[tilespmem:$0x7880] =	vst v63  }
0x2f: {  	v3 =	vadd.s32 v1, v3  }
0x30: {  	[tilespmem:s17], [sflag:$0x1] =	stream.indirect_vreg.gather [hbm4b:s5+s3], $0x80, v4, vm0, $0xb8;
	[tilespmem:$0x7880] =	vst v63  }
0x31: {  	_ = 	snop  }
0x32: {  	[tilespmem:s18], [sflag:$0x1] =	stream.indirect_vreg.gather [hbm4b:s6+s3], $0x80, v4, vm0, $0xb8;
	[tilespmem:$0x7880] =	vst v63  }
0x33: {  	_ = 	snop  }
0x34: {  	[tilespmem:s19], [sflag:$0x1] =	stream.indirect_vreg.gather [hbm4b:s1+s3], $0x80, v3, vm0, $0xb8;
	[tilespmem:$0x7880] =	vst v63  }
0x35: {  	_ = 	snop  }
0x36: {  	[tilespmem:s20], [sflag:$0x1] =	stream.indirect_vreg.gather [hbm4b:s5+s3], $0x80, v3, vm0, $0xb8;
	[tilespmem:$0x7880] =	vst v63  }
0x37: {  	_ = 	snop  }
0x38: {  	[tilespmem:s21], [sflag:$0x1] =	stream.indirect_vreg.gather [hbm4b:s6+s3], $0x80, v3, vm0, $0xb8;
	[tilespmem:$0x7880] =	vst v63  }
0x39: {  	v3 =	vld.msk [tilespmem:$0x20], $0xff;
	_ =	sdelay $0x4  }
0x3a: {  	v63 =	vshrl.u32 v3, $0x3  }
0x3b: {  	v4 =	vmul.u32 $0x30, v63  }
0x3c: {  	v3 =	vand.u32 $0x7, v3  }
0x3d: {  	v3 =	vor.u32 v3, v4  }
0x3e: {  	v3 =	vperm.xlane v3, v0;
	_ =	sdelay $0x1  }
0x3f: {  	v3 =	vadd.s32 v1, v3;
	_ =	sdelay $0x4  }
0x40: {  	[tilespmem:s22], [sflag:$0x1] =	stream.indirect_vreg.gather [hbm4b:s1+s3], $0x80, v3, vm0, $0xb8;
	[tilespmem:$0x7880] =	vst v63  }
0x41: {  	_ = 	snop  }
0x42: {  	[tilespmem:s23], [sflag:$0x1] =	stream.indirect_vreg.gather [hbm4b:s5+s3], $0x80, v3, vm0, $0xb8;
	[tilespmem:$0x7880] =	vst v63  }
0x43: {  	_ = 	snop  }
0x44: {  	[tilespmem:s24], [sflag:$0x1] =	stream.indirect_vreg.gather [hbm4b:s6+s3], $0x80, v3, vm0, $0xb8;
	[tilespmem:$0x7880] =	vst v63  }
0x45: {  	_ =	swait.ge [sflag:s25], $0x7800  }
0x46: {  	p0 =	sne.s32 s8, $0x1;
	[sflag:s25] =	ssyncset.done $0x0  }
.Ltmp0:
0x47: {  	[sflag:s25] =	ssyncadd.s32 $0xFFFF8800;
	(pc) =	sbr.rel @p0 .LBB2_1-.Ltmp0, $4  }
0x48: {  	[hbm4b:s7+s3] =	stream.linear.scatter [tilespmem:s10], [sflag:$0x2], $0x7800, $0x38;
	[tilespmem:$0x7880] =	vst v63  }
0x49: {  	_ =	swait.ge [sflag:s9], $0x7800  }
0x4a: {  	[sflag:s9] =	ssyncset.done $0x0  }
0x4b: {  	s8 =	sadd.s32 $0xFFFFFFFF, s8;
	[sflag:s9] =	ssyncadd.s32 $0xFFFF8800  }
0x4c: {  	_ =	sfence.sel $0x180000  }
0x4d: {  	[bflag:$0x0] =	sbarrier.arrive $0xFFFF  }
0x4e: {  	p0 =	sne.s32 s0, $0x0;
	_ =	strace $0x90000056  }
0x4f: {  	s0 =	sadd.s32 @!p0 $0x100000, s2;
	[bflag:$0x2] =	sbarrier.arrive $0xFFFF  }
0x50: {  	[sflag:s0] =	ssyncadd.tile.s32 @!p0 $0x1;
	_ =	shalt  }
.Lfunc_end2:
_tile_overlayer_lowered:
.L_overlay_start_2:
0x51: {  	(tag) =	ssettag $0x2  }
0x52: {  	s0 =	rddreg [dreg:$0x0];
	s2 =	stileid.u32  }
0x53: {  	s1 =	rddreg [dreg:$0x1];
	p0 =	sne.s32 s2, $0x0  }
0x54: {  	s3 =	rddreg [dreg:$0x2];
	[bflag:$0x3] =	sbarrier.arrive $0xFFFF;
	s2 =	simm.s32 @!p0 $0x1C02  }
0x55: {  	[timem:s3], [sflag:s2] =	dma.local @!p0 [hbm:s0], s1  }
0x56: {  	s0 =	simm.s32 @!p0 $0x2  }
0x57: {  	_ =	swait.ge @!p0 [sflag:s0], s1  }
0x58: {  	s1 =	ssub.s32 @!p0 $0x0, s1;
	[sflag:s0] =	ssyncset.done @!p0 $0x0  }
0x59: {  	[sflag:s0] =	ssyncadd.s32 @!p0 s1  }
0x5a: {  	[bflag:$0x3] =	sbarrier.arrive $0xFFFF  }
0x5b: {  	_ =	shalt  }

// kernel: sparse-core-data-format-call.cloned.1.call-start
scs
called_computation_lowered:
.L_overlay_start_0:
0x0: {  	s1 =	sld [smem:$0x3FD9]  }
0x1: {  	s2 =	sld [smem:$0x3FFE];
	_ =	sdelay $0x1  }
0x2: {  	s3 =	srdreg.scid  }
0x3: {  	s0 =	sand.u32 $0x1, s3  }
0x4: {  	s17 =	sshll.u32 s0, $0xA;
	s1 =	sadd.s32 s2, s1  }
0x5: {  	s1 =	sadd.s32 s1, s17  }
0x6: {  	[smem:$0x3FAB] =	sst s1  }
0x7: {  	_ = 	snop  }
0x8: {  	(tm) =	ssettm $0x1  }
0x9: {  	s18 =	sld [smem:$0x3FFB];
	_ =	sdelay $0x3  }
0xa: {  	_ =	strace s18  }
0xb: {  	s1 =	sld [smem:$0x3FFC];
	_ =	sdelay $0x3  }
0xc: {  	_ =	strace s1  }
0xd: {  	s1 =	sld [smem:$0x3FFD];
	_ =	sdelay $0x3  }
0xe: {  	_ =	strace s1  }
0xf: {  	_ =	strace $0x8FFFFFFF  }
0x10: {  	s19 =	sld [smem:$0x3FDB];
	_ =	sdelay $0x1  }
0x11: {  	s20 =	simm.s32 $_scs_section_size  }
0x12: {  	s4 =	simm.s32 $_size__tile_overlayer_lowered;
	s5 =	simm.s32 $_tile_overlayer_lowered  }
0x13: {  	s23 =	simm.s32 $0x1BFF;
	s22 =	sshll.u32 s5, $0x1;
	s1 =	sadd.s32 s20, s19  }
0x14: {  	s6 =	simm.s32 $0x0;
	s21 =	sshll.u32 s4, $0x1;
	s4 =	sadd.s32 s22, s1  }
0x15: {  	[timem:s6], [sflag:s23] =	dma.local [hbm:s4], s21  }
0x16: {  	_ =	swait.ge [sflag:s23], s21  }
0x17: {  	s2 =	ssub.s32 $0x0, s21;
	[sflag:s23] =	ssyncset.done $0x0  }
0x18: {  	[sflag:s23] =	ssyncadd.s32 s2;
	_ =	sdelay $0x1  }
0x19: {  	s24 =	simm.s32 $0x1B8B  }
0x1a: {  	_ =	swait.ge [sflag:s24], $0x1  }
0x1b: {  	[sflag:s24] =	ssyncset.done $0x0  }
0x1c: {  	s26 =	simm.s32 $0x1B8E;
	s25 =	sld [smem:$0x3FFE];
	[sflag:s24] =	ssyncadd.s32 $0xFFFFFFFF  }
0x1d: {  	s27 =	simm.s32 $execute0_lowered;
	[smem:$0x3FD2] =	sst s26  }
0x1e: {  	s4 =	sshll.u32 s27, $0x1;
	_ =	strace $0x80000046;
	[dreg:$0x1] =	wrdreg $0xFFFFFFFF  }
0x1f: {  	s28 =	simm.s32 $_size_execute0_lowered;
	s1 =	sadd.s32 s1, s4;
	[dreg:$0x0] =	wrdreg $0x0  }
0x20: {  	s4 =	sshll.u32 s28, $0x1;
	[dreg:$0x2] =	wrdreg s1  }
0x21: {  	[dreg:$0x3] =	wrdreg s4  }
0x22: {  	[dreg:$0x4] =	wrdreg $0xC0  }
0x23: {  	_ =	task [dreg:s6], $0x5FFFF  }
0x24: {  	[dreg:$0x1] =	wrdreg $0xFFFFFFFF  }
0x25: {  	[dreg:$0x0] =	wrdreg $0x60  }
0x26: {  	[dreg:$0x2] =	wrdreg s25  }
0x27: {  	[dreg:$0x3] =	wrdreg $0x9  }
0x28: {  	_ =	task.clear_ibuf [dreg:s6], $0x4FFFF;
	_ =	strace $0x90000046  }
0x29: {  	s29 =	simm.s32 $0x9;
	_ =	strace $0x80000048  }
0x2a: {  	_ =	swait.ge [sflag:s29], $0x1  }
0x2b: {  	[sflag:s29] =	ssyncadd.s32 $0xFFFFFFFF  }
0x2c: {  	_ =	strace $0x90000048  }
0x2d: {  	_ =	sfence  }
0x2e: {  	s30 =	sld [smem:$0x0];
	_ =	sdelay $0x2  }
0x2f: {  	s31 =	sshll.u32 s3, $0xD;
	s3 =	sshrl.u32 s3, $0x2  }
0x30: {  	s2 =	sand.u32 $0x4000, s31;
	s1 =	sadd.s32 s3, s30  }
0x31: {  	s0 =	sor.u32 s2, s0;
	s1 =	sshll.u32 s1, $0x11  }
0x32: {  	s0 =	sor.u32 s1, s0  }
0x33: {  	s0 =	sadd.s32 $0x8F2B, s0  }
0x34: {  	[sflag:s0] =	ssyncadd.remote.s32 $0x1  }
0x35: {  	_ =	sfence.sel $0xFFFF  }
0x36: {  	[dreg:$0x0] =	wrdreg $0xFFFFFFFF;
	(pc) =	sbr.abs _section_cstart, $3  }
0x37: {  	[dreg:$0x1] =	wrdreg $0xFFFFFFFF  }
0x38: {  	_ =	task.clear_ibuf [dreg:s6], $0x2FFFF;
	_ =	strace $0x9FFFFFFF  }
0x39: {  	(tm) =	ssettm $0x7FFFFFFF  }
tec
execute0_lowered:
.L_overlay_start_1:
0x0: {  	(tag) =	ssettag $0x1  }
0x1: {  	s4 =	rddreg [dreg:$0x0]  }
0x2: {  	s0 =	stileid.u32;
	s1 =	rddreg [dreg:$0x1];
	_ =	strace $0x80000047  }
0x3: {  	s6 =	srdreg.scid;
	s31 =	simm.s32 $0x2;
	s17 =	simm.s32 $0x0  }
0x4: {  	p0 =	por $0x0, $0x0;
	s9 =	simm.s32 $0x800;
	s19 =	simm.s32 $0x0  }
0x5: {  	s18 =	simm.s32 $0x0;
	s10 =	simm.s32 $0x0;
	s2 =	sshll.u32 s0, $0x7  }
0x6: {  	s11 =	simm.s32 $0x0;
	s12 =	simm.s32 $0x0;
	s2 =	sand.u32 $0x80, s2  }
0x7: {  	s13 =	simm.s32 $0x0;
	s16 =	simm.s32 $0x0;
	s5 =	ssub.s32 $0x100, s2  }
0x8: {  	s3 =	sadd.s32 $0x31A600, s4;
	s6 =	sshll.u32 s6, $0x4;
	s7 =	sshrl.u32 s5, $0x7  }
.Ltmp0:
0x9: {  	s5 =	sshrl.u32 s5, $0x8;
	s7 =	sand.u32 $0x1, s7;
	(pc) =	sbr.rel .LBB1_1-.Ltmp0, $4  }
0xa: {  	s4 =	sadd.s32 $0x63A600, s4;
	s6 =	sand.u32 $0x10, s6;
	s7 =	sadd.s32 s5, s7  }
0xb: {  	s8 =	sor.u32 s0, s6;
	s5 =	simm.s32 $0x1;
	s6 =	smul.u32 $0x32, s7  }
0xc: {  	s15 =	smov.u32 s2;
	s7 =	sshrl.u32 s8, $0x1;
	[sflag:s5] =	ssyncpa.u1 $0x0  }
0xd: {  	[sflag:s31] =	ssyncpa.u1 $0x0;
	s14 =	smov.u32 s7;
	s8 =	sor.u32 $0x1, s6  }
.LBB1_4:
0xe: {  	s25 =	sshll.u32 s10, $0x8;
	s26 =	sshll.u32 s12, $0x3;
	s27 =	sshll.u32 s10, $0x7  }
0xf: {  	p1 =	sgt.s32 s11, $0x1F;
	s28 =	smov.u32 s11;
	s24 =	sshra.s32 s24, $0x2  }
0x10: {  	p2 =	sgt.s32 s12, $0x80;
	s25 =	sand.u32 $0xFFFFF800, s25;
	s26 =	sand.u32 $0xFFFFFC00, s26  }
0x11: {  	s29 =	sand.u32 $0x300, s27;
	s28 =	simm.s32 @!p1 $0x1F;
	s25 =	sadd.s32 s26, s25  }
0x12: {  	s23 =	sadd.s32 s24, s23;
	s25 =	sor.u32 s29, s25;
	s29 =	sshra.s32 s11, $0x1F  }
0x13: {  	s27 =	sand.u32 $0x80, s27;
	s25 =	sshrl.u32 s25, $0x8;
	s29 =	sand.u32 s29, s11  }
0x14: {  	s30 =	smulhi.u32 $0x14F38F7, s25;
	s26 =	ssub.s32 s28, s29;
	s29 =	smov.u32 s12  }
0x15: {  	s28 =	sadd.s32 $0xFFFFFFE1, s26;
	s29 =	simm.s32 @!p2 $0x80;
	p2 =	sgt.s32 s10, $0xBB8  }
0x16: {  	v5 =	vld [tilespmem:s21+$0xFFFFFFD0];
	[tilespmem:s22+$0x2040 ss:$0x81] =	vst.msk $0xffff, v4;
	s26 =	ssub.s32 $0x20, s26;
	s24 =	sshrl.u32 s30, $0x4;
	s30 =	sshra.s32 s12, $0x1F  }
0x17: {  	v58 =	vld [tilespmem:s21+$0xFFFFFFE0];
	[tilespmem:s22+$0x2850 ss:$0x81] =	vst.msk $0xffff, v3;
	p1 =	sgt.s32 s28, $0x0;
	s31 =	sand.u32 s30, s12;
	s30 =	smov.u32 s10  }
0x18: {  	v59 =	vld [tilespmem:s21+$0xFFFFFFF0];
	[tilespmem:s22+$0x3060 ss:$0x81] =	vst.msk $0xffff, v2;
	s24 =	smul.u32 $0xC38, s24;
	s28 =	ssub.s32 s29, s31;
	s31 =	sshra.s32 s10, $0x1F  }
0x19: {  	[tilespmem:s22+$0x0 ss:$0x81] =	vst.msk $0xffff, v1;
	v60 =	vld [tilespmem:s21+$0x0];
	s26 =	simm.s32 @p1 $0x0;
	s30 =	simm.s32 @!p2 $0xBB8;
	s29 =	sand.u32 s31, s10  }
0x1a: {  	v61 =	vld [tilespmem:s21+$0x10];
	[tilespmem:s23+$0x3870 ss:$0x81] =	vst.msk $0xffff, v0;
	s24 =	ssub.s32 s25, s24;
	s22 =	ssub.s32 s30, s29;
	s30 =	sadd.s32 $0xFFFFFF80, s28  }
0x1b: {  	v62 =	vld [tilespmem:s21+$0x20];
	[tilespmem:s23+$0x810 ss:$0x81] =	vst.msk $0xffff, v5;
	s28 =	ssub.s32 $0x100, s28;
	p1 =	sgt.s32 s30, $0x7F;
	s31 =	sadd.s32 $0xFFFFF448, s22  }
0x1c: {  	v63 =	vld [tilespmem:s21+$0xFFFFFFC0];
	[tilespmem:s23+$0x1020 ss:$0x81] =	vst.msk $0xffff, v58;
	p2 =	sgt.s32 s31, $0x7F;
	s28 =	simm.s32 @p1 $0x0;
	s31 =	smul.u32 $0x18700, s11  }
0x1d: {  	[tilespmem:s23+$0x1830 ss:$0x81] =	vst.msk $0xffff, v59;
	s30 =	sand.u32 $0x78, s12;
	s22 =	ssub.s32 $0xC38, s22;
	s26 =	smul.u32 s28, s26  }
0x1e: {  	[tilespmem:s23+$0x2040 ss:$0x81] =	vst.msk $0xffff, v60;
	s29 =	sand.u32 $0x7, s12;
	s21 =	sor.u32 s30, s27;
	s22 =	simm.s32 @p2 $0x0  }
0x1f: {  	[tilespmem:s23+$0x2850 ss:$0x81] =	vst.msk $0xffff, v61;
	s21 =	sshrl.u32 s21, $0x3;
	s28 =	sadd.s32 s4, s31;
	s22 =	smul.u32 s22, s26  }
0x20: {  	[tilespmem:s23+$0x3060 ss:$0x81] =	vst.msk $0xffff, v62;
	s24 =	sshll.u32 s24, $0x5;
	s30 =	sshll.u32 s29, $0x12;
	s21 =	sadd.s32 s21, s28  }
0x21: {  	[tilespmem:s23+$0x0 ss:$0x81] =	vst.msk $0xffff, v63;
	s31 =	sor.u32 $0x400, s30;
	s21 =	sadd.s32 s24, s21;
	s22 =	sand.u32 $0x3FFFFFFF, s22  }
0x22: {  	[hbm4b:s21+s31] =	stream.strided.scatter [tilespmem:s20], [sflag:$0x2], s22, s9, s31, $0x20;
	[tilespmem:$0x10100] =	vst v63  }
.LBB1_5:
0x23: {  	p1 =	slt.u32 s16, $0x2  }
0x24: {  	p2 =	sgt.s32 @!p1 s19, $0x1F  }
0x25: {  	s20 =	smov.u32 s19;
	s21 =	sshra.s32 @!p1 s19, $0x1F;
	p2 =	por !p2, p1  }
0x26: {  	s19 =	sand.u32 @!p1 s21, s19;
	s20 =	simm.s32 @p2 $0x1F  }
0x27: {  	p3 =	sgt.s32 @!p1 s18, $0x80;
	s19 =	ssub.s32 @!p1 s20, s19  }
0x28: {  	p3 =	por !p3, p1;
	s21 =	sshra.s32 @!p1 s18, $0x1F;
	s20 =	sadd.s32 @!p1 $0xFFFFFFE1, s19  }
0x29: {  	s19 =	ssub.s32 @!p1 $0x20, s19;
	p2 =	sgt.s32 @!p1 s20, $0x0;
	s20 =	smov.u32 s18  }
0x2a: {  	s18 =	sand.u32 @!p1 s21, s18;
	s20 =	simm.s32 @p3 $0x80;
	p3 =	sgt.s32 @!p1 s17, $0xBB8  }
0x2b: {  	s21 =	smov.u32 s17;
	p2 =	por !p2, p1;
	p3 =	por !p3, p1  }
0x2c: {  	s18 =	ssub.s32 @!p1 s20, s18;
	s20 =	sshra.s32 @!p1 s17, $0x1F;
	s19 =	simm.s32 @!p2 $0x0  }
0x2d: {  	s21 =	simm.s32 @p3 $0xBB8;
	s17 =	sand.u32 @!p1 s20, s17;
	s20 =	sadd.s32 @!p1 $0xFFFFFF80, s18  }
0x2e: {  	s18 =	ssub.s32 @!p1 $0x100, s18;
	s17 =	ssub.s32 @!p1 s21, s17;
	p2 =	sgt.s32 @!p1 s20, $0x7F  }
0x2f: {  	s21 =	smov.u32 s14;
	s20 =	sadd.s32 @!p1 $0xFFFFF448, s17;
	p2 =	por !p2, p1  }
0x30: {  	s17 =	ssub.s32 @!p1 $0xC38, s17;
	p3 =	sgt.s32 @!p1 s20, $0x7F;
	s18 =	simm.s32 @!p2 $0x0  }
0x31: {  	s20 =	sadd.s32 $0x80, s13;
	p2 =	por !p3, p1;
	s18 =	smul.u32 @!p1 s18, s19  }
0x32: {  	s19 =	sadd.s32 $0x10, s14;
	s17 =	simm.s32 @!p2 $0x0;
	p2 =	sgt.s32 s20, $0xC34  }
0x33: {  	s22 =	smov.u32 s15;
	s21 =	smov.u32 @p2 s19  }
0x34: {  	s17 =	smul.u32 @!p1 s17, s18;
	s18 =	sadd.s32 $0x100, s15;
	p3 =	sgt.s32 s21, $0x1F  }
0x35: {  	p0 =	por !p0, !p0;
	s23 =	simm.s32 @!p1 $0x2;
	s22 =	smov.u32 @p3 s18  }
0x36: {  	s20 =	simm.s32 @p2 $0x0;
	s19 =	smov.u32 s11;
	p2 =	sgt.s32 s22, $0xFF  }
0x37: {  	s11 =	smov.u32 s14;
	s22 =	smov.u32 @p2 s2;
	p2 =	sne.s32 s16, s8  }
.Ltmp1:
0x38: {  	s17 =	sand.u32 @!p1 $0x3FFFFFFF, s17;
	s21 =	smov.u32 @p3 s7;
	(pc) =	sbr.rel @!p2 .LBB1_6-.Ltmp1, $4  }
0x39: {  	s18 =	smov.u32 s12;
	s12 =	smov.u32 s15;
	_ =	swait.ge @!p1 [sflag:s23], s17  }
0x3a: {  	s24 =	ssub.s32 @!p1 $0x0, s17;
	s17 =	smov.u32 s10;
	s10 =	smov.u32 s13  }
0x3b: {  	s13 =	smov.u32 s20;
	s14 =	smov.u32 s21;
	[sflag:s23] =	ssyncset.done @!p1 $0x0  }
0x3c: {  	s16 =	sadd.s32 $0x1, s16;
	[sflag:s23] =	ssyncadd.s32 @!p1 s24;
	s15 =	smov.u32 s22  }
.LBB1_1:
0x3d: {  	p1 =	sge.u32 s16, s6  }
0x3e: {  	s20 =	sshrl.u32 @!p1 s14, $0x3  }
0x3f: {  	s21 =	sshll.u32 @!p1 s13, $0x3;
	s20 =	smul.u32 @!p1 $0x6400, s20  }
0x40: {  	s22 =	sshll.u32 @!p1 s14, $0x7;
	s21 =	sand.u32 @!p1 $0xFFFFFC00, s21  }
0x41: {  	s20 =	sadd.s32 @!p1 s20, s21;
	s21 =	sand.u32 @!p1 $0x380, s22  }
0x42: {  	s22 =	sand.u32 @!p1 $0x7F, s13;
	s20 =	sor.u32 @!p1 s21, s20  }
0x43: {  	s21 =	sor.u32 @!p1 s22, s20  }
0x44: {  	s22 =	smulhi.u32 @!p1 $0x51EB851F, s21  }
0x45: {  	s20 =	smulhi.u32 @!p1 $0x51EB851F, s20  }
0x46: {  	s22 =	sshrl.u32 @!p1 s22, $0xA  }
0x47: {  	s31 =	sadd.s32 $0xFFFFFFFF, s16;
	s20 =	sshrl.u32 @!p1 s20, $0xA;
	s22 =	smul.u32 @!p1 $0xC80, s22  }
0x48: {  	s23 =	sxor.u32 @!p1 $0xFFFFFFFF, s16;
	s24 =	smul.u32 @!p1 $0x3200, s15;
	s20 =	sand.u32 @!p1 $0x1F, s20  }
0x49: {  	s23 =	sshll.u32 @!p1 s23, $0xE;
	s20 =	smul.u32 @!p1 $0x190, s20;
	s21 =	ssub.s32 @!p1 s21, s22  }
0x4a: {  	s22 =	sand.u32 @!p1 $0x4000, s23;
	s23 =	sadd.s32 @!p1 s3, s24;
	s24 =	sand.u32 @!p1 $0x7, s21  }
0x4b: {  	s21 =	sshrl.u32 @!p1 s21, $0x3;
	s20 =	sadd.s32 @!p1 s20, s23;
	s23 =	sshll.u32 @!p1 s24, $0x12  }
0x4c: {  	s20 =	sadd.s32 @!p1 s21, s20;
	s21 =	sor.u32 @!p1 $0x80, s23;
	s23 =	simm.s32 @!p1 $0x19000  }
0x4d: {  	[tilespmem:s22], [sflag:$0x1] =	stream.strided.gather @!p1 [hbm4b:s20+s21], $0x4000, s23, s21, $0x38;
	[tilespmem:$0x10100] =	vst v63  }
0x4e: {  	p1 =	sge.u32 s31, s6  }
.Ltmp2:
0x4f: {  	_ = 	snop;
	(pc) =	sbr.rel @p1 .LBB1_5-.Ltmp2, $1  }
0x50: {  	_ =	sdelay $0x3  }
0x51: {  	s20 =	simm.s32 $0x1  }
0x52: {  	_ =	swait.ge [sflag:s5], $0x4000;
	s20 =	simm.s32 @!p0 $0x0  }
0x53: {  	[sflag:s5] =	ssyncset.done $0x0;
	s21 =	sshll.u32 s20, $0xE  }
0x54: {  	[sflag:s5] =	ssyncadd.s32 $0xFFFFC000;
	s21 =	sor.u32 $0x40, s21  }
0x55: {  	s20 =	smul.u32 $0x10200, s20;
	v0 =	vld [tilespmem:s21+$0x30]  }
0x56: {  	v1 =	vld [tilespmem:s21+$0xFFFFFFD0]  }
0x57: {  	s20 =	sshrl.u32 s20, $0x2;
	v5 =	vld [tilespmem:s21+$0xFFFFFFE0]  }
0x58: {  	v6 =	vld [tilespmem:s21+$0xFFFFFFF0];
	s23 =	sor.u32 $0x8000, s20  }
0x59: {  	s31 =	sand.u32 $0x1, s16;
	v4 =	vld [tilespmem:s21+$0x0];
	s22 =	sadd.s32 $0x0, s23  }
0x5a: {  	v3 =	vld [tilespmem:s21+$0x10];
	s20 =	smul.u32 $0x10200, s31;
	[tilespmem:s22+$0x3870 ss:$0x81] =	vst.msk $0xffff, v0  }
0x5b: {  	v2 =	vld [tilespmem:s21+$0x20];
	[tilespmem:s22+$0x810 ss:$0x81] =	vst.msk $0xffff, v1  }
0x5c: {  	s20 =	sshrl.u32 s20, $0x2;
	v1 =	vld [tilespmem:s21+$0xFFFFFFC0];
	[tilespmem:s22+$0x1020 ss:$0x81] =	vst.msk $0xffff, v5;
	s21 =	sadd.s32 $0x80, s21  }
0x5d: {  	s24 =	simm.s32 $0x4;
	s25 =	simm.s32 $0x8;
	s20 =	sor.u32 $0x8000, s20;
	[tilespmem:s22+$0x1830 ss:$0x81] =	vst.msk $0xffff, v6;
	v0 =	vld [tilespmem:s21+$0x30]  }
.LBB1_3:
0x5e: {  	p1 =	sne.s32 s25, $0x1FC;
	v5 =	vld [tilespmem:s21+$0xFFFFFFD0];
	[tilespmem:s22+$0x2040 ss:$0x81] =	vst.msk $0xffff, v4  }
0x5f: {  	v6 =	vld [tilespmem:s21+$0xFFFFFFE0];
	[tilespmem:s22+$0x2850 ss:$0x81] =	vst.msk $0xffff, v3  }
0x60: {  	s26 =	sshra.s32 s24, $0x2;
	s24 =	smov.u32 s25;
	v7 =	vld [tilespmem:s21+$0xFFFFFFF0];
	[tilespmem:s22+$0x3060 ss:$0x81] =	vst.msk $0xffff, v2  }
.Ltmp3:
0x61: {  	v4 =	vld [tilespmem:s21+$0x0];
	[tilespmem:s22+$0x0 ss:$0x81] =	vst.msk $0xffff, v1;
	s22 =	sadd.s32 s26, s23;
	(pc) =	sbr.rel @p1 .LBB1_3-.Ltmp3, $4  }
0x62: {  	v3 =	vld [tilespmem:s21+$0x10];
	[tilespmem:s22+$0x3870 ss:$0x81] =	vst.msk $0xffff, v0  }
0x63: {  	[tilespmem:s22+$0x810 ss:$0x81] =	vst.msk $0xffff, v5;
	v2 =	vld [tilespmem:s21+$0x20]  }
0x64: {  	v1 =	vld [tilespmem:s21+$0xFFFFFFC0];
	[tilespmem:s22+$0x1020 ss:$0x81] =	vst.msk $0xffff, v6;
	s21 =	sadd.s32 $0x80, s21  }
0x65: {  	s25 =	sadd.s32 $0x4, s25;
	v0 =	vld [tilespmem:s21+$0x30];
	[tilespmem:s22+$0x1830 ss:$0x81] =	vst.msk $0xffff, v7  }
.Ltmp4:
0x66: {  	_ = 	snop;
	(pc) =	sbr.rel .LBB1_4-.Ltmp4, $1  }
0x67: {  	_ =	sdelay $0x3  }
.LBB1_6:
0x68: {  	_ =	sfence.sel $0x180000  }
0x69: {  	s2 =	simm.s32 $0x1;
	[bflag:$0x0] =	sbarrier.arrive $0xFFFF  }
0x6a: {  	s31 =	simm.s32 $0x2;
	[sflag:s2] =	ssyncpa.u1 $0x1  }
0x6b: {  	[sflag:s31] =	ssyncpa.u1 $0x1  }
0x6c: {  	p0 =	sne.s32 s0, $0x0;
	_ =	strace $0x90000047  }
0x6d: {  	s0 =	sadd.s32 @!p0 $0x100000, s1;
	[bflag:$0x2] =	sbarrier.arrive $0xFFFF  }
0x6e: {  	[sflag:s0] =	ssyncadd.tile.s32 @!p0 $0x1;
	_ =	shalt  }
.Lfunc_end1:
_tile_overlayer_lowered:
.L_overlay_start_2:
0x6f: {  	(tag) =	ssettag $0x2  }
0x70: {  	s0 =	rddreg [dreg:$0x0];
	s2 =	stileid.u32  }
0x71: {  	s1 =	rddreg [dreg:$0x1];
	p0 =	sne.s32 s2, $0x0  }
0x72: {  	s3 =	rddreg [dreg:$0x2];
	[bflag:$0x3] =	sbarrier.arrive $0xFFFF;
	s2 =	simm.s32 @!p0 $0x1C01  }
0x73: {  	[timem:s3], [sflag:s2] =	dma.local @!p0 [hbm:s0], s1  }
0x74: {  	s0 =	simm.s32 @!p0 $0x1  }
0x75: {  	_ =	swait.ge @!p0 [sflag:s0], s1  }
0x76: {  	s1 =	ssub.s32 @!p0 $0x0, s1;
	[sflag:s0] =	ssyncset.done @!p0 $0x0  }
0x77: {  	[sflag:s0] =	ssyncadd.s32 @!p0 s1  }
0x78: {  	[bflag:$0x3] =	sbarrier.arrive $0xFFFF  }
0x79: {  	_ =	shalt  }

</sc_bundles>
